<compile_context>
chip_gen: v7x
topology: tpu7x:2x2x1
jax: 0.10.2.dev20260603
libtpu: 0.0.44.dev20260713+nightly
codegen_flags: <defaults>
</compile_context>

<pallas_src>
import functools
import jax
import jax.numpy as jnp
from jax import lax
from jax.experimental import pallas as pl
from jax.experimental.pallas import tpu as pltpu
from jax.experimental.pallas import tpu_sc as plsc

_NCENT = 512
_NCB = 32
_SUB = 64
_BT = 256
_DIN = _NCB * _SUB
_CHUNK = 128


def _codes_body(x_ref, cent_ref, caug_ref, negmse_ref, codes_ref, flat_ref):
    x = x_ref[...]
    negs, codes, flats = [], [], []
    for c in range(_NCB):
        xc = x[:, c * _SUB:(c + 1) * _SUB]
        cc = cent_ref[c]
        resp = lax.dot_general(xc, cc, (((1,), (1,)), ((), ())))
        m = jnp.max(resp, axis=-1, keepdims=True)
        eqf = (resp >= m).astype(jnp.float32)
        g = lax.dot_general(eqf, caug_ref[c], (((1,), (0,)), ((), ())),
                            preferred_element_type=jnp.float32)
        code = g[:, 0:1] * 16.0 + g[:, 1:2]
        negs.append(-m)
        codes.append(code.astype(jnp.int32))
        flats.append(code.astype(jnp.int32) + c * _NCENT)
    negmse_ref[...] = jnp.concatenate(negs, axis=1)
    codes_ref[...] = jnp.concatenate(codes, axis=1)
    flat_ref[...] = jnp.concatenate(flats, axis=1)


def _codes_call(x2, centroids, caug):
    B = x2.shape[0]
    return pl.pallas_call(
        _codes_body,
        grid=(B // _BT,),
        in_specs=[
            pl.BlockSpec((_BT, _DIN), lambda i: (i, 0)),
            pl.BlockSpec((_NCB, _NCENT, _SUB), lambda i: (0, 0, 0)),
            pl.BlockSpec((_NCB, _NCENT, 2), lambda i: (0, 0, 0)),
        ],
        out_specs=(
            pl.BlockSpec((_BT, _NCB), lambda i: (i, 0)),
            pl.BlockSpec((_BT, _NCB), lambda i: (i, 0)),
            pl.BlockSpec((_BT, _NCB), lambda i: (i, 0)),
        ),
        out_shape=(
            jax.ShapeDtypeStruct((B, _NCB), jnp.float32),
            jax.ShapeDtypeStruct((B, _NCB), jnp.int32),
            jax.ShapeDtypeStruct((B, _NCB), jnp.int32),
        ),
        compiler_params=pltpu.CompilerParams(
            dimension_semantics=("arbitrary",),
        ),
    )(x2, centroids, caug)


def _sc_gather(table, flat_idx):
    nrows, d = flat_idx.shape[0], table.shape[1]
    info = plsc.get_sparse_core_info()
    nw = info.num_cores * info.num_subcores
    rows_per_w = nrows // nw
    nchunk = rows_per_w // _CHUNK
    idx3 = flat_idx.reshape(nw, nchunk, _CHUNK)
    mesh = plsc.VectorSubcoreMesh(core_axis_name="c", subcore_axis_name="s")

    @functools.partial(
        pl.kernel,
        out_type=jax.ShapeDtypeStruct((nrows, d), table.dtype),
        mesh=mesh,
        compiler_params=pltpu.CompilerParams(use_tc_tiling_on_sc=False),
        scratch_types=[
            pltpu.VMEM((nchunk, _CHUNK), jnp.int32),
            pltpu.VMEM((_CHUNK, d), table.dtype),
            pltpu.VMEM((_CHUNK, d), table.dtype),
            pltpu.SemaphoreType.DMA,
            pltpu.SemaphoreType.DMA,
        ],
    )
    def gather_k(table_hbm, idx_hbm, out_hbm, idx_v, buf0, buf1, sem0, sem1):
        wid = lax.axis_index("s") * info.num_cores + lax.axis_index("c")
        base = wid * rows_per_w
        pltpu.sync_copy(idx_hbm.at[wid], idx_v)
        bufs = (buf0, buf1)
        sems = (sem0, sem1)

        def body(k0, carry):
            cps = []
            for b in range(2):
                k = k0 * 2 + b
                cps.append(pltpu.async_copy(
                    table_hbm.at[idx_v.at[k]], bufs[b], sems[b]))
            for b in range(2):
                k = k0 * 2 + b
                cps[b].wait()
                pltpu.sync_copy(
                    bufs[b], out_hbm.at[pl.ds(base + k * _CHUNK, _CHUNK)])
            return carry

        lax.fori_loop(0, nchunk // 2, body, 0)

    return gather_k(table, idx3)


def _matmul_body(x_ref, w_ref, o_ref):
    o_ref[...] = lax.dot_general(x_ref[...], w_ref[...],
                                 (((1,), (0,)), ((), ())),
                                 preferred_element_type=jnp.float32)


def _matmul_call(x, w_bf):
    B, out_dim = x.shape[0], w_bf.shape[1]
    return pl.pallas_call(
        _matmul_body,
        grid=(B // _BT,),
        in_specs=[
            pl.BlockSpec((_BT, _DIN), lambda i: (i, 0)),
            pl.BlockSpec((_DIN, out_dim), lambda i: (0, 0)),
        ],
        out_specs=pl.BlockSpec((_BT, out_dim), lambda i: (i, 0)),
        out_shape=jax.ShapeDtypeStruct((B, out_dim), jnp.float32),
        compiler_params=pltpu.CompilerParams(
            dimension_semantics=("arbitrary",),
        ),
    )(x, w_bf)


def kernel(inputs, centroids, W):
    B = inputs.shape[0]
    x2 = inputs.reshape(B, _DIN)
    k = jnp.arange(_NCENT, dtype=jnp.int32)
    idx_cols = jnp.stack([(k // 16).astype(jnp.float32),
                          (k % 16).astype(jnp.float32)], axis=1)
    caug = jnp.broadcast_to(idx_cols[None], (_NCB, _NCENT, 2))
    negmse, codes, flat = _codes_call(x2, centroids, caug)
    table = centroids.reshape(_NCB * _NCENT, _SUB)
    rows = _sc_gather(table, flat.reshape(-1))
    prod = _matmul_call(rows.reshape(B, _DIN), W)
    return (prod, negmse, codes)

# --- scband reference (transcript-rebuilt; emitter-appended) ---
"""Pipeline reference for scband-dpqnetwork-70239895158853 (READ-ONLY COPY).

The authoritative reference and input builder live on the scoring server;
editing this copy changes nothing except your own understanding.
"""

import jax, jax.numpy as jnp
import numpy as np

NCENTROIDS = 512
NCODEBOOKS = 32
SUBVECT_LEN = 64
BATCH = 4096
OUT_DIM = 2048
TAU = 1.0


def setup_inputs(seed: int = 0) -> dict:
    key = jax.random.key(seed)
    k1, k2, k3 = jax.random.split(key, 3)
    inputs = jax.random.normal(k1, (BATCH, NCODEBOOKS, SUBVECT_LEN), dtype=jnp.float32)
    centroids = jax.random.normal(k2, (NCODEBOOKS, NCENTROIDS, SUBVECT_LEN), dtype=jnp.float32)
    W = jax.random.normal(k3, (NCODEBOOKS * SUBVECT_LEN, OUT_DIM), dtype=jnp.float32) * 0.02
    return {"inputs": inputs, "centroids": centroids, "W": W}


def reference(inputs, centroids, W):
    # query_metric == 'dot': response[b, c, k] = <inputs[b, c, :], centroids[c, k, :]>
    response = jnp.einsum('bcd,ckd->bck', inputs, centroids)
    # softmax over centroids (computed in torch; unused downstream on tie_in_n_out path)
    response_prob = jax.nn.softmax(response / TAU, axis=-1)
    neg_mse = jnp.max(response, axis=-1)
    codes = jnp.argmax(response, axis=-1)  # (B, C), int
    # not shared_centroids: offset codes per codebook into flattened centroid table
    d_base = (NCENTROIDS * jnp.arange(NCODEBOOKS)).astype(codes.dtype)
    neighbour_idxs = d_base[None, :] + codes
    flat_cent = centroids.reshape(-1, SUBVECT_LEN)
    outputs = jnp.take(flat_cent, neighbour_idxs.reshape(-1), axis=0)
    outputs = outputs.reshape(-1, NCODEBOOKS, SUBVECT_LEN)
    # straight-through estimator: outputs_nograd - inputs_nograd + inputs
    outputs_final = jax.lax.stop_gradient(outputs) - jax.lax.stop_gradient(inputs) + inputs
    # fc(x) with weight.data = W.T (no bias) == x @ W
    product = outputs_final.reshape(-1, NCODEBOOKS * SUBVECT_LEN) @ W
    return (product, -neg_mse, codes)

if __name__ == "__main__":
    import jax
    _d = setup_inputs()
    print(jax.jit(kernel)(*tuple(_d.values())))

</pallas_src>

<mosaic_0001>
#map = affine_map<(d0, d1) -> (0, 0)>
#map1 = affine_map<(d0, d1) -> (0, 0, 0)>
module attributes {stable_mosaic.version = 14 : i64} {
  func.func @gather_k(%arg0: i32, %arg1: i32, %arg2: memref<16384x64xf32, #tpu.memory_space<hbm>>, %arg3: memref<32x32x128xi32, #tpu.memory_space<hbm>>, %arg4: memref<131072x64xf32, #tpu.memory_space<hbm>>, %arg5: memref<32x128xi32, #tpu.memory_space<vmem>>, %arg6: memref<128x64xf32, #tpu.memory_space<vmem>>, %arg7: memref<128x64xf32, #tpu.memory_space<vmem>>, %arg8: memref<!tpu.dma_semaphore, #tpu.memory_space<semaphore_mem>>, %arg9: memref<!tpu.dma_semaphore, #tpu.memory_space<semaphore_mem>>) attributes {dimension_semantics = [#tpu.dimension_semantics<core_parallel>, #tpu.dimension_semantics<subcore_parallel>], iteration_bounds = array<i64: 2, 16>, scalar_prefetch = 0 : i64, scratch_operands = 5 : i64, tpu.core_type = #tpu.core_type<sc_vector_subcore>, window_params = [{transform_indices = #map}, {transform_indices = #map1}, {transform_indices = #map}]} {
    %mul3A = arith.constant 2 : i32
    %mul3A_0 = arith.muli %arg1, %mul3A : i32
    %add3A = arith.addi %mul3A_0, %arg0 : i32
    %mul3A_1 = arith.constant 4096 : i32
    %mul3A_2 = arith.muli %add3A, %mul3A_1 : i32
    "tpu.region"() ({
      %run_scoped3A = tpu.sem_alloc : memref<!tpu.dma_semaphore, #tpu.memory_space<semaphore_mem>>
      %dma_start3A = arith.constant 0 : i32
      %dma_start3A_8 = arith.constant 0 : i32
      %dma_start3A_9 = tpu.memref_slice %arg3[%add3A, %dma_start3A, %dma_start3A_8] : memref<32x32x128xi32, #tpu.memory_space<hbm>> -> memref<1x32x128xi32, #tpu.memory_space<hbm>>
      %dma_start3A_10 = tpu.memref_squeeze %dma_start3A_9 : memref<1x32x128xi32, #tpu.memory_space<hbm>> -> memref<32x128xi32, #tpu.memory_space<hbm>>
      %dma_start3A_11 = arith.constant 0 : i32
      %dma_start3A_12 = arith.constant 0 : i32
      %dma_start3A_13 = tpu.memref_slice %arg3[%add3A, %dma_start3A_11, %dma_start3A_12] : memref<32x32x128xi32, #tpu.memory_space<hbm>> -> memref<1x32x128xi32, #tpu.memory_space<hbm>>
      %dma_start3A_14 = tpu.memref_squeeze %dma_start3A_13 : memref<1x32x128xi32, #tpu.memory_space<hbm>> -> memref<32x128xi32, #tpu.memory_space<hbm>>
      tpu.enqueue_dma source(%dma_start3A_14 : memref<32x128xi32, #tpu.memory_space<hbm>>) target(%arg5 : memref<32x128xi32, #tpu.memory_space<vmem>>) target_semaphore(%run_scoped3A : memref<!tpu.dma_semaphore, #tpu.memory_space<semaphore_mem>>)
      %dma_wait3A = arith.constant 0 : i32
      %dma_wait3A_15 = arith.constant 0 : i32
      %dma_wait3A_16 = tpu.memref_slice %arg3[%add3A, %dma_wait3A, %dma_wait3A_15] : memref<32x32x128xi32, #tpu.memory_space<hbm>> -> memref<1x32x128xi32, #tpu.memory_space<hbm>>
      %dma_wait3A_17 = tpu.memref_squeeze %dma_wait3A_16 : memref<1x32x128xi32, #tpu.memory_space<hbm>> -> memref<32x128xi32, #tpu.memory_space<hbm>>
      %dma_wait3A_18 = arith.constant 0 : i32
      %dma_wait3A_19 = arith.constant 0 : i32
      %dma_wait3A_20 = tpu.memref_slice %arg3[%add3A, %dma_wait3A_18, %dma_wait3A_19] : memref<32x32x128xi32, #tpu.memory_space<hbm>> -> memref<1x32x128xi32, #tpu.memory_space<hbm>>
      %dma_wait3A_21 = tpu.memref_squeeze %dma_wait3A_20 : memref<1x32x128xi32, #tpu.memory_space<hbm>> -> memref<32x128xi32, #tpu.memory_space<hbm>>
      tpu.wait_dma2 semaphore(%run_scoped3A : memref<!tpu.dma_semaphore, #tpu.memory_space<semaphore_mem>>) src(%dma_wait3A_21 : memref<32x128xi32, #tpu.memory_space<hbm>>) dst(%arg5 : memref<32x128xi32, #tpu.memory_space<vmem>>)
      tpu.yield
    }) : () -> ()
    %scan3A = arith.constant 0 : i32
    %scan3A_3 = arith.constant 0 : i32
    %scan3A_4 = arith.constant 16 : i32
    %scan3A_5 = arith.addi %scan3A_3, %scan3A_4 : i32
    %scan3A_6 = arith.constant 1 : i32
    scf.for %scan3A_8 = %scan3A_3 to %scan3A_5 step %scan3A_6  : i32 {
      %mul3A_9 = arith.constant 2 : i32
      %mul3A_10 = arith.muli %scan3A_8, %mul3A_9 : i32
      %add3A_11 = arith.constant 0 : i32
      %add3A_12 = arith.addi %mul3A_10, %add3A_11 : i32
      %dma_start3A = arith.constant 0 : i32
      %dma_start3A_13 = tpu.memref_slice %arg5[%add3A_12, %dma_start3A] : memref<32x128xi32, #tpu.memory_space<vmem>> -> memref<1x128xi32, #tpu.memory_space<vmem>>
      %dma_start3A_14 = tpu.memref_squeeze %dma_start3A_13 : memref<1x128xi32, #tpu.memory_space<vmem>> -> memref<128xi32, #tpu.memory_space<vmem>>
      %dma_start3A_15 = arith.constant 0 : i32
      %dma_start3A_16 = arith.constant 0 : i32
      %dma_start3A_17 = tpu.memref_slice %arg2[%dma_start3A_15, %dma_start3A_16] : memref<16384x64xf32, #tpu.memory_space<hbm>> -> memref<16384x64xf32, #tpu.memory_space<hbm>>
      tpu.enqueue_indirect_dma source(%dma_start3A_17 : memref<16384x64xf32, #tpu.memory_space<hbm>>) target(%arg6 : memref<128x64xf32, #tpu.memory_space<vmem>>) offsets(%dma_start3A_14 : memref<128xi32, #tpu.memory_space<vmem>>) semaphore(%arg8 : memref<!tpu.dma_semaphore, #tpu.memory_space<semaphore_mem>>)
      %mul3A_18 = arith.constant 2 : i32
      %mul3A_19 = arith.muli %scan3A_8, %mul3A_18 : i32
      %add3A_20 = arith.constant 1 : i32
      %add3A_21 = arith.addi %mul3A_19, %add3A_20 : i32
      %dma_start3A_22 = arith.constant 0 : i32
      %dma_start3A_23 = tpu.memref_slice %arg5[%add3A_21, %dma_start3A_22] : memref<32x128xi32, #tpu.memory_space<vmem>> -> memref<1x128xi32, #tpu.memory_space<vmem>>
      %dma_start3A_24 = tpu.memref_squeeze %dma_start3A_23 : memref<1x128xi32, #tpu.memory_space<vmem>> -> memref<128xi32, #tpu.memory_space<vmem>>
      %dma_start3A_25 = arith.constant 0 : i32
      %dma_start3A_26 = arith.constant 0 : i32
      %dma_start3A_27 = tpu.memref_slice %arg2[%dma_start3A_25, %dma_start3A_26] : memref<16384x64xf32, #tpu.memory_space<hbm>> -> memref<16384x64xf32, #tpu.memory_space<hbm>>
      tpu.enqueue_indirect_dma source(%dma_start3A_27 : memref<16384x64xf32, #tpu.memory_space<hbm>>) target(%arg7 : memref<128x64xf32, #tpu.memory_space<vmem>>) offsets(%dma_start3A_24 : memref<128xi32, #tpu.memory_space<vmem>>) semaphore(%arg9 : memref<!tpu.dma_semaphore, #tpu.memory_space<semaphore_mem>>)
      %mul3A_28 = arith.constant 2 : i32
      %mul3A_29 = arith.muli %scan3A_8, %mul3A_28 : i32
      %add3A_30 = arith.constant 0 : i32
      %add3A_31 = arith.addi %mul3A_29, %add3A_30 : i32
      %dma_wait3A = arith.constant 0 : i32
      %dma_wait3A_32 = tpu.memref_slice %arg5[%add3A_12, %dma_wait3A] : memref<32x128xi32, #tpu.memory_space<vmem>> -> memref<1x128xi32, #tpu.memory_space<vmem>>
      %dma_wait3A_33 = tpu.memref_squeeze %dma_wait3A_32 : memref<1x128xi32, #tpu.memory_space<vmem>> -> memref<128xi32, #tpu.memory_space<vmem>>
      %dma_wait3A_34 = arith.constant 0 : i32
      %dma_wait3A_35 = arith.constant 0 : i32
      %dma_wait3A_36 = tpu.memref_slice %arg2[%dma_wait3A_34, %dma_wait3A_35] : memref<16384x64xf32, #tpu.memory_space<hbm>> -> memref<16384x64xf32, #tpu.memory_space<hbm>>
      tpu.wait_indirect_dma semaphore(%arg8 : memref<!tpu.dma_semaphore, #tpu.memory_space<semaphore_mem>>) src(%dma_wait3A_36 : memref<16384x64xf32, #tpu.memory_space<hbm>>) dst(%arg6 : memref<128x64xf32, #tpu.memory_space<vmem>>)
      %mul3A_37 = arith.constant 128 : i32
      %mul3A_38 = arith.muli %add3A_31, %mul3A_37 : i32
      %add3A_39 = arith.addi %mul3A_2, %mul3A_38 : i32
      "tpu.region"() ({
        %run_scoped3A = tpu.sem_alloc : memref<!tpu.dma_semaphore, #tpu.memory_space<semaphore_mem>>
        %dma_start3A_53 = arith.constant 0 : i32
        %dma_start3A_54 = tpu.memref_slice %arg4[%add3A_39, %dma_start3A_53] : memref<131072x64xf32, #tpu.memory_space<hbm>> -> memref<128x64xf32, #tpu.memory_space<hbm>>
        %dma_start3A_55 = arith.constant 0 : i32
        %dma_start3A_56 = tpu.memref_slice %arg4[%add3A_39, %dma_start3A_55] : memref<131072x64xf32, #tpu.memory_space<hbm>> -> memref<128x64xf32, #tpu.memory_space<hbm>>
        tpu.enqueue_dma source(%arg6 : memref<128x64xf32, #tpu.memory_space<vmem>>) target(%dma_start3A_56 : memref<128x64xf32, #tpu.memory_space<hbm>>) target_semaphore(%run_scoped3A : memref<!tpu.dma_semaphore, #tpu.memory_space<semaphore_mem>>)
        %dma_wait3A_57 = arith.constant 0 : i32
        %dma_wait3A_58 = tpu.memref_slice %arg4[%add3A_39, %dma_wait3A_57] : memref<131072x64xf32, #tpu.memory_space<hbm>> -> memref<128x64xf32, #tpu.memory_space<hbm>>
        %dma_wait3A_59 = arith.constant 0 : i32
        %dma_wait3A_60 = tpu.memref_slice %arg4[%add3A_39, %dma_wait3A_59] : memref<131072x64xf32, #tpu.memory_space<hbm>> -> memref<128x64xf32, #tpu.memory_space<hbm>>
        tpu.wait_dma2 semaphore(%run_scoped3A : memref<!tpu.dma_semaphore, #tpu.memory_space<semaphore_mem>>) src(%arg6 : memref<128x64xf32, #tpu.memory_space<vmem>>) dst(%dma_wait3A_60 : memref<128x64xf32, #tpu.memory_space<hbm>>)
        tpu.yield
      }) : () -> ()
      %mul3A_40 = arith.constant 2 : i32
      %mul3A_41 = arith.muli %scan3A_8, %mul3A_40 : i32
      %add3A_42 = arith.constant 1 : i32
      %add3A_43 = arith.addi %mul3A_41, %add3A_42 : i32
      %dma_wait3A_44 = arith.constant 0 : i32
      %dma_wait3A_45 = tpu.memref_slice %arg5[%add3A_21, %dma_wait3A_44] : memref<32x128xi32, #tpu.memory_space<vmem>> -> memref<1x128xi32, #tpu.memory_space<vmem>>
      %dma_wait3A_46 = tpu.memref_squeeze %dma_wait3A_45 : memref<1x128xi32, #tpu.memory_space<vmem>> -> memref<128xi32, #tpu.memory_space<vmem>>
      %dma_wait3A_47 = arith.constant 0 : i32
      %dma_wait3A_48 = arith.constant 0 : i32
      %dma_wait3A_49 = tpu.memref_slice %arg2[%dma_wait3A_47, %dma_wait3A_48] : memref<16384x64xf32, #tpu.memory_space<hbm>> -> memref<16384x64xf32, #tpu.memory_space<hbm>>
      tpu.wait_indirect_dma semaphore(%arg9 : memref<!tpu.dma_semaphore, #tpu.memory_space<semaphore_mem>>) src(%dma_wait3A_49 : memref<16384x64xf32, #tpu.memory_space<hbm>>) dst(%arg7 : memref<128x64xf32, #tpu.memory_space<vmem>>)
      %mul3A_50 = arith.constant 128 : i32
      %mul3A_51 = arith.muli %add3A_43, %mul3A_50 : i32
      %add3A_52 = arith.addi %mul3A_2, %mul3A_51 : i32
      "tpu.region"() ({
        %run_scoped3A = tpu.sem_alloc : memref<!tpu.dma_semaphore, #tpu.memory_space<semaphore_mem>>
        %dma_start3A_53 = arith.constant 0 : i32
        %dma_start3A_54 = tpu.memref_slice %arg4[%add3A_52, %dma_start3A_53] : memref<131072x64xf32, #tpu.memory_space<hbm>> -> memref<128x64xf32, #tpu.memory_space<hbm>>
        %dma_start3A_55 = arith.constant 0 : i32
        %dma_start3A_56 = tpu.memref_slice %arg4[%add3A_52, %dma_start3A_55] : memref<131072x64xf32, #tpu.memory_space<hbm>> -> memref<128x64xf32, #tpu.memory_space<hbm>>
        tpu.enqueue_dma source(%arg7 : memref<128x64xf32, #tpu.memory_space<vmem>>) target(%dma_start3A_56 : memref<128x64xf32, #tpu.memory_space<hbm>>) target_semaphore(%run_scoped3A : memref<!tpu.dma_semaphore, #tpu.memory_space<semaphore_mem>>)
        %dma_wait3A_57 = arith.constant 0 : i32
        %dma_wait3A_58 = tpu.memref_slice %arg4[%add3A_52, %dma_wait3A_57] : memref<131072x64xf32, #tpu.memory_space<hbm>> -> memref<128x64xf32, #tpu.memory_space<hbm>>
        %dma_wait3A_59 = arith.constant 0 : i32
        %dma_wait3A_60 = tpu.memref_slice %arg4[%add3A_52, %dma_wait3A_59] : memref<131072x64xf32, #tpu.memory_space<hbm>> -> memref<128x64xf32, #tpu.memory_space<hbm>>
        tpu.wait_dma2 semaphore(%run_scoped3A : memref<!tpu.dma_semaphore, #tpu.memory_space<semaphore_mem>>) src(%arg7 : memref<128x64xf32, #tpu.memory_space<vmem>>) dst(%dma_wait3A_60 : memref<128x64xf32, #tpu.memory_space<hbm>>)
        tpu.yield
      }) : () -> ()
    }
    %scan3A_7 = arith.constant 16 : i32
    return
  }
}

module attributes {stable_mosaic.version = 14 : i64} {
  func.func @_codes_body(%arg0: i32, %arg1: memref<256x2048xf32, #tpu.memory_space<vmem>>, %arg2: memref<32x512x64xf32, #tpu.memory_space<vmem>>, %arg3: memref<32x512x2xf32, #tpu.memory_space<vmem>>, %arg4: memref<256x32xf32, #tpu.memory_space<vmem>>, %arg5: memref<256x32xi32, #tpu.memory_space<vmem>>, %arg6: memref<256x32xi32, #tpu.memory_space<vmem>>) attributes {dimension_semantics = [#tpu.dimension_semantics<arbitrary>], iteration_bounds = array<i64: 16>, scalar_prefetch = 0 : i64, scratch_operands = 0 : i64, tpu.core_type = #tpu.core_type<tc>, window_params = [{transform_indices = @transform_0, window_bounds = array<i64: 256, 2048>}, {pipeline_mode = #tpu.pipeline_mode<synchronous>, transform_indices = @transform_1, window_bounds = array<i64: 32, 512, 64>}, {pipeline_mode = #tpu.pipeline_mode<synchronous>, transform_indices = @transform_2, window_bounds = array<i64: 32, 512, 2>}, {transform_indices = @transform_3, window_bounds = array<i64: 256, 32>}, {transform_indices = @transform_4, window_bounds = array<i64: 256, 32>}, {transform_indices = @transform_5, window_bounds = array<i64: 256, 32>}]} {
    %get3A = arith.constant 0 : index
    %get3A_0 = arith.constant 0 : index
    %get3A_1 = vector.load %arg1[%get3A, %get3A_0] : memref<256x2048xf32, #tpu.memory_space<vmem>>, vector<256x2048xf32>
    %slice3A = vector.extract_strided_slice %get3A_1 {offsets = [0, 0], sizes = [256, 64], strides = [1, 1]} : vector<256x2048xf32> to vector<256x64xf32>
    %get3A_2 = arith.constant 0 : index
    %get3A_3 = arith.constant 0 : index
    %get3A_4 = arith.constant 0 : index
    %get3A_5 = vector.load %arg2[%get3A_2, %get3A_3, %get3A_4] : memref<32x512x64xf32, #tpu.memory_space<vmem>>, vector<1x512x64xf32>
    %get3A_6 = vector.shape_cast %get3A_5 : vector<1x512x64xf32> to vector<512x64xf32>
    %dot_general3A = arith.constant dense<0.000000e+00> : vector<256x512xf32>
    %dot_general3A_7 = tpu.matmul %slice3A, %get3A_6, %dot_general3A {dimension_numbers = #tpu.dot_dimension_numbers<[1], [1], [0], [0], [0, 0, 1, 0], [], []>, transpose_lhs_hint = false} : vector<256x64xf32>, vector<512x64xf32>, vector<256x512xf32> -> vector<256x512xf32>
    %reduce_max3A = arith.constant dense<0xFF800000> : vector<256xf32>
    %reduce_max3A_8 = vector.multi_reduction <maximumf>, %dot_general3A_7, %reduce_max3A [1] : vector<256x512xf32> to vector<256xf32>
    %broadcast_in_dim3A = vector.shape_cast %reduce_max3A_8 : vector<256xf32> to vector<256x1xf32>
    %ge3A = vector.broadcast %broadcast_in_dim3A : vector<256x1xf32> to vector<256x512xf32>
    %ge3A_9 = arith.cmpf oge, %dot_general3A_7, %ge3A : vector<256x512xf32>
    %convert_element_type3A = arith.extui %ge3A_9 : vector<256x512xi1> to vector<256x512xi32>
    %convert_element_type3A_10 = arith.sitofp %convert_element_type3A : vector<256x512xi32> to vector<256x512xf32>
    %get3A_11 = arith.constant 0 : index
    %get3A_12 = arith.constant 0 : index
    %get3A_13 = arith.constant 0 : index
    %get3A_14 = vector.load %arg3[%get3A_11, %get3A_12, %get3A_13] : memref<32x512x2xf32, #tpu.memory_space<vmem>>, vector<1x512x2xf32>
    %get3A_15 = vector.shape_cast %get3A_14 : vector<1x512x2xf32> to vector<512x2xf32>
    %dot_general3A_16 = arith.constant dense<0.000000e+00> : vector<256x2xf32>
    %dot_general3A_17 = tpu.matmul %convert_element_type3A_10, %get3A_15, %dot_general3A_16 {dimension_numbers = #tpu.dot_dimension_numbers<[1], [0], [0], [1], [0, 0, 1, 1], [], []>, transpose_lhs_hint = false} : vector<256x512xf32>, vector<512x2xf32>, vector<256x2xf32> -> vector<256x2xf32>
    %slice3A_18 = vector.extract_strided_slice %dot_general3A_17 {offsets = [0, 0], sizes = [256, 1], strides = [1, 1]} : vector<256x2xf32> to vector<256x1xf32>
    %mul3A = arith.constant 1.600000e+01 : f32
    %mul3A_19 = vector.broadcast %mul3A : f32 to vector<256x1xf32>
    %mul3A_20 = arith.mulf %slice3A_18, %mul3A_19 : vector<256x1xf32>
    %slice3A_21 = vector.extract_strided_slice %dot_general3A_17 {offsets = [0, 1], sizes = [256, 1], strides = [1, 1]} : vector<256x2xf32> to vector<256x1xf32>
    %add3A = arith.addf %mul3A_20, %slice3A_21 : vector<256x1xf32>
    %neg3A = arith.constant 0.000000e+00 : f32
    %neg3A_22 = vector.broadcast %neg3A : f32 to vector<256x1xf32>
    %neg3A_23 = arith.subf %neg3A_22, %broadcast_in_dim3A : vector<256x1xf32>
    %convert_element_type3A_24 = arith.fptosi %add3A : vector<256x1xf32> to vector<256x1xi32>
    %convert_element_type3A_25 = arith.fptosi %add3A : vector<256x1xf32> to vector<256x1xi32>
    %add3A_26 = arith.constant 0 : i32
    %add3A_27 = vector.broadcast %add3A_26 : i32 to vector<256x1xi32>
    %add3A_28 = arith.addi %convert_element_type3A_25, %add3A_27 : vector<256x1xi32>
    %slice3A_29 = vector.extract_strided_slice %get3A_1 {offsets = [0, 64], sizes = [256, 64], strides = [1, 1]} : vector<256x2048xf32> to vector<256x64xf32>
    %get3A_30 = arith.constant 1 : index
    %get3A_31 = arith.constant 0 : index
    %get3A_32 = arith.constant 0 : index
    %get3A_33 = vector.load %arg2[%get3A_30, %get3A_31, %get3A_32] : memref<32x512x64xf32, #tpu.memory_space<vmem>>, vector<1x512x64xf32>
    %get3A_34 = vector.shape_cast %get3A_33 : vector<1x512x64xf32> to vector<512x64xf32>
    %dot_general3A_35 = arith.constant dense<0.000000e+00> : vector<256x512xf32>
    %dot_general3A_36 = tpu.matmul %slice3A_29, %get3A_34, %dot_general3A_35 {dimension_numbers = #tpu.dot_dimension_numbers<[1], [1], [0], [0], [0, 0, 1, 0], [], []>, transpose_lhs_hint = false} : vector<256x64xf32>, vector<512x64xf32>, vector<256x512xf32> -> vector<256x512xf32>
    %reduce_max3A_37 = arith.constant dense<0xFF800000> : vector<256xf32>
    %reduce_max3A_38 = vector.multi_reduction <maximumf>, %dot_general3A_36, %reduce_max3A_37 [1] : vector<256x512xf32> to vector<256xf32>
    %broadcast_in_dim3A_39 = vector.shape_cast %reduce_max3A_38 : vector<256xf32> to vector<256x1xf32>
    %ge3A_40 = vector.broadcast %broadcast_in_dim3A_39 : vector<256x1xf32> to vector<256x512xf32>
    %ge3A_41 = arith.cmpf oge, %dot_general3A_36, %ge3A_40 : vector<256x512xf32>
    %convert_element_type3A_42 = arith.extui %ge3A_41 : vector<256x512xi1> to vector<256x512xi32>
    %convert_element_type3A_43 = arith.sitofp %convert_element_type3A_42 : vector<256x512xi32> to vector<256x512xf32>
    %get3A_44 = arith.constant 1 : index
    %get3A_45 = arith.constant 0 : index
    %get3A_46 = arith.constant 0 : index
    %get3A_47 = vector.load %arg3[%get3A_44, %get3A_45, %get3A_46] : memref<32x512x2xf32, #tpu.memory_space<vmem>>, vector<1x512x2xf32>
    %get3A_48 = vector.shape_cast %get3A_47 : vector<1x512x2xf32> to vector<512x2xf32>
    %dot_general3A_49 = arith.constant dense<0.000000e+00> : vector<256x2xf32>
    %dot_general3A_50 = tpu.matmul %convert_element_type3A_43, %get3A_48, %dot_general3A_49 {dimension_numbers = #tpu.dot_dimension_numbers<[1], [0], [0], [1], [0, 0, 1, 1], [], []>, transpose_lhs_hint = false} : vector<256x512xf32>, vector<512x2xf32>, vector<256x2xf32> -> vector<256x2xf32>
    %slice3A_51 = vector.extract_strided_slice %dot_general3A_50 {offsets = [0, 0], sizes = [256, 1], strides = [1, 1]} : vector<256x2xf32> to vector<256x1xf32>
    %mul3A_52 = arith.constant 1.600000e+01 : f32
    %mul3A_53 = vector.broadcast %mul3A_52 : f32 to vector<256x1xf32>
    %mul3A_54 = arith.mulf %slice3A_51, %mul3A_53 : vector<256x1xf32>
    %slice3A_55 = vector.extract_strided_slice %dot_general3A_50 {offsets = [0, 1], sizes = [256, 1], strides = [1, 1]} : vector<256x2xf32> to vector<256x1xf32>
    %add3A_56 = arith.addf %mul3A_54, %slice3A_55 : vector<256x1xf32>
    %neg3A_57 = arith.constant 0.000000e+00 : f32
    %neg3A_58 = vector.broadcast %neg3A_57 : f32 to vector<256x1xf32>
    %neg3A_59 = arith.subf %neg3A_58, %broadcast_in_dim3A_39 : vector<256x1xf32>
    %convert_element_type3A_60 = arith.fptosi %add3A_56 : vector<256x1xf32> to vector<256x1xi32>
    %convert_element_type3A_61 = arith.fptosi %add3A_56 : vector<256x1xf32> to vector<256x1xi32>
    %add3A_62 = arith.constant 512 : i32
    %add3A_63 = vector.broadcast %add3A_62 : i32 to vector<256x1xi32>
    %add3A_64 = arith.addi %convert_element_type3A_61, %add3A_63 : vector<256x1xi32>
    %slice3A_65 = vector.extract_strided_slice %get3A_1 {offsets = [0, 128], sizes = [256, 64], strides = [1, 1]} : vector<256x2048xf32> to vector<256x64xf32>
    %get3A_66 = arith.constant 2 : index
    %get3A_67 = arith.constant 0 : index
    %get3A_68 = arith.constant 0 : index
    %get3A_69 = vector.load %arg2[%get3A_66, %get3A_67, %get3A_68] : memref<32x512x64xf32, #tpu.memory_space<vmem>>, vector<1x512x64xf32>
    %get3A_70 = vector.shape_cast %get3A_69 : vector<1x512x64xf32> to vector<512x64xf32>
    %dot_general3A_71 = arith.constant dense<0.000000e+00> : vector<256x512xf32>
    %dot_general3A_72 = tpu.matmul %slice3A_65, %get3A_70, %dot_general3A_71 {dimension_numbers = #tpu.dot_dimension_numbers<[1], [1], [0], [0], [0, 0, 1, 0], [], []>, transpose_lhs_hint = false} : vector<256x64xf32>, vector<512x64xf32>, vector<256x512xf32> -> vector<256x512xf32>
    %reduce_max3A_73 = arith.constant dense<0xFF800000> : vector<256xf32>
    %reduce_max3A_74 = vector.multi_reduction <maximumf>, %dot_general3A_72, %reduce_max3A_73 [1] : vector<256x512xf32> to vector<256xf32>
    %broadcast_in_dim3A_75 = vector.shape_cast %reduce_max3A_74 : vector<256xf32> to vector<256x1xf32>
    %ge3A_76 = vector.broadcast %broadcast_in_dim3A_75 : vector<256x1xf32> to vector<256x512xf32>
    %ge3A_77 = arith.cmpf oge, %dot_general3A_72, %ge3A_76 : vector<256x512xf32>
    %convert_element_type3A_78 = arith.extui %ge3A_77 : vector<256x512xi1> to vector<256x512xi32>
    %convert_element_type3A_79 = arith.sitofp %convert_element_type3A_78 : vector<256x512xi32> to vector<256x512xf32>
    %get3A_80 = arith.constant 2 : index
    %get3A_81 = arith.constant 0 : index
    %get3A_82 = arith.constant 0 : index
    %get3A_83 = vector.load %arg3[%get3A_80, %get3A_81, %get3A_82] : memref<32x512x2xf32, #tpu.memory_space<vmem>>, vector<1x512x2xf32>
    %get3A_84 = vector.shape_cast %get3A_83 : vector<1x512x2xf32> to vector<512x2xf32>
    %dot_general3A_85 = arith.constant dense<0.000000e+00> : vector<256x2xf32>
    %dot_general3A_86 = tpu.matmul %convert_element_type3A_79, %get3A_84, %dot_general3A_85 {dimension_numbers = #tpu.dot_dimension_numbers<[1], [0], [0], [1], [0, 0, 1, 1], [], []>, transpose_lhs_hint = false} : vector<256x512xf32>, vector<512x2xf32>, vector<256x2xf32> -> vector<256x2xf32>
    %slice3A_87 = vector.extract_strided_slice %dot_general3A_86 {offsets = [0, 0], sizes = [256, 1], strides = [1, 1]} : vector<256x2xf32> to vector<256x1xf32>
    %mul3A_88 = arith.constant 1.600000e+01 : f32
    %mul3A_89 = vector.broadcast %mul3A_88 : f32 to vector<256x1xf32>
    %mul3A_90 = arith.mulf %slice3A_87, %mul3A_89 : vector<256x1xf32>
    %slice3A_91 = vector.extract_strided_slice %dot_general3A_86 {offsets = [0, 1], sizes = [256, 1], strides = [1, 1]} : vector<256x2xf32> to vector<256x1xf32>
    %add3A_92 = arith.addf %mul3A_90, %slice3A_91 : vector<256x1xf32>
    %neg3A_93 = arith.constant 0.000000e+00 : f32
    %neg3A_94 = vector.broadcast %neg3A_93 : f32 to vector<256x1xf32>
    %neg3A_95 = arith.subf %neg3A_94, %broadcast_in_dim3A_75 : vector<256x1xf32>
    %convert_element_type3A_96 = arith.fptosi %add3A_92 : vector<256x1xf32> to vector<256x1xi32>
    %convert_element_type3A_97 = arith.fptosi %add3A_92 : vector<256x1xf32> to vector<256x1xi32>
    %add3A_98 = arith.constant 1024 : i32
    %add3A_99 = vector.broadcast %add3A_98 : i32 to vector<256x1xi32>
    %add3A_100 = arith.addi %convert_element_type3A_97, %add3A_99 : vector<256x1xi32>
    %slice3A_101 = vector.extract_strided_slice %get3A_1 {offsets = [0, 192], sizes = [256, 64], strides = [1, 1]} : vector<256x2048xf32> to vector<256x64xf32>
    %get3A_102 = arith.constant 3 : index
    %get3A_103 = arith.constant 0 : index
    %get3A_104 = arith.constant 0 : index
    %get3A_105 = vector.load %arg2[%get3A_102, %get3A_103, %get3A_104] : memref<32x512x64xf32, #tpu.memory_space<vmem>>, vector<1x512x64xf32>
    %get3A_106 = vector.shape_cast %get3A_105 : vector<1x512x64xf32> to vector<512x64xf32>
    %dot_general3A_107 = arith.constant dense<0.000000e+00> : vector<256x512xf32>
    %dot_general3A_108 = tpu.matmul %slice3A_101, %get3A_106, %dot_general3A_107 {dimension_numbers = #tpu.dot_dimension_numbers<[1], [1], [0], [0], [0, 0, 1, 0], [], []>, transpose_lhs_hint = false} : vector<256x64xf32>, vector<512x64xf32>, vector<256x512xf32> -> vector<256x512xf32>
    %reduce_max3A_109 = arith.constant dense<0xFF800000> : vector<256xf32>
    %reduce_max3A_110 = vector.multi_reduction <maximumf>, %dot_general3A_108, %reduce_max3A_109 [1] : vector<256x512xf32> to vector<256xf32>
    %broadcast_in_dim3A_111 = vector.shape_cast %reduce_max3A_110 : vector<256xf32> to vector<256x1xf32>
    %ge3A_112 = vector.broadcast %broadcast_in_dim3A_111 : vector<256x1xf32> to vector<256x512xf32>
    %ge3A_113 = arith.cmpf oge, %dot_general3A_108, %ge3A_112 : vector<256x512xf32>
    %convert_element_type3A_114 = arith.extui %ge3A_113 : vector<256x512xi1> to vector<256x512xi32>
    %convert_element_type3A_115 = arith.sitofp %convert_element_type3A_114 : vector<256x512xi32> to vector<256x512xf32>
    %get3A_116 = arith.constant 3 : index
    %get3A_117 = arith.constant 0 : index
    %get3A_118 = arith.constant 0 : index
    %get3A_119 = vector.load %arg3[%get3A_116, %get3A_117, %get3A_118] : memref<32x512x2xf32, #tpu.memory_space<vmem>>, vector<1x512x2xf32>
    %get3A_120 = vector.shape_cast %get3A_119 : vector<1x512x2xf32> to vector<512x2xf32>
    %dot_general3A_121 = arith.constant dense<0.000000e+00> : vector<256x2xf32>
    %dot_general3A_122 = tpu.matmul %convert_element_type3A_115, %get3A_120, %dot_general3A_121 {dimension_numbers = #tpu.dot_dimension_numbers<[1], [0], [0], [1], [0, 0, 1, 1], [], []>, transpose_lhs_hint = false} : vector<256x512xf32>, vector<512x2xf32>, vector<256x2xf32> -> vector<256x2xf32>
    %slice3A_123 = vector.extract_strided_slice %dot_general3A_122 {offsets = [0, 0], sizes = [256, 1], strides = [1, 1]} : vector<256x2xf32> to vector<256x1xf32>
    %mul3A_124 = arith.constant 1.600000e+01 : f32
    %mul3A_125 = vector.broadcast %mul3A_124 : f32 to vector<256x1xf32>
    %mul3A_126 = arith.mulf %slice3A_123, %mul3A_125 : vector<256x1xf32>
    %slice3A_127 = vector.extract_strided_slice %dot_general3A_122 {offsets = [0, 1], sizes = [256, 1], strides = [1, 1]} : vector<256x2xf32> to vector<256x1xf32>
    %add3A_128 = arith.addf %mul3A_126, %slice3A_127 : vector<256x1xf32>
    %neg3A_129 = arith.constant 0.000000e+00 : f32
    %neg3A_130 = vector.broadcast %neg3A_129 : f32 to vector<256x1xf32>
    %neg3A_131 = arith.subf %neg3A_130, %broadcast_in_dim3A_111 : vector<256x1xf32>
    %convert_element_type3A_132 = arith.fptosi %add3A_128 : vector<256x1xf32> to vector<256x1xi32>
    %convert_element_type3A_133 = arith.fptosi %add3A_128 : vector<256x1xf32> to vector<256x1xi32>
    %add3A_134 = arith.constant 1536 : i32
    %add3A_135 = vector.broadcast %add3A_134 : i32 to vector<256x1xi32>
    %add3A_136 = arith.addi %convert_element_type3A_133, %add3A_135 : vector<256x1xi32>
    %slice3A_137 = vector.extract_strided_slice %get3A_1 {offsets = [0, 256], sizes = [256, 64], strides = [1, 1]} : vector<256x2048xf32> to vector<256x64xf32>
    %get3A_138 = arith.constant 4 : index
    %get3A_139 = arith.constant 0 : index
    %get3A_140 = arith.constant 0 : index
    %get3A_141 = vector.load %arg2[%get3A_138, %get3A_139, %get3A_140] : memref<32x512x64xf32, #tpu.memory_space<vmem>>, vector<1x512x64xf32>
    %get3A_142 = vector.shape_cast %get3A_141 : vector<1x512x64xf32> to vector<512x64xf32>
    %dot_general3A_143 = arith.constant dense<0.000000e+00> : vector<256x512xf32>
    %dot_general3A_144 = tpu.matmul %slice3A_137, %get3A_142, %dot_general3A_143 {dimension_numbers = #tpu.dot_dimension_numbers<[1], [1], [0], [0], [0, 0, 1, 0], [], []>, transpose_lhs_hint = false} : vector<256x64xf32>, vector<512x64xf32>, vector<256x512xf32> -> vector<256x512xf32>
    %reduce_max3A_145 = arith.constant dense<0xFF800000> : vector<256xf32>
    %reduce_max3A_146 = vector.multi_reduction <maximumf>, %dot_general3A_144, %reduce_max3A_145 [1] : vector<256x512xf32> to vector<256xf32>
    %broadcast_in_dim3A_147 = vector.shape_cast %reduce_max3A_146 : vector<256xf32> to vector<256x1xf32>
    %ge3A_148 = vector.broadcast %broadcast_in_dim3A_147 : vector<256x1xf32> to vector<256x512xf32>
    %ge3A_149 = arith.cmpf oge, %dot_general3A_144, %ge3A_148 : vector<256x512xf32>
    %convert_element_type3A_150 = arith.extui %ge3A_149 : vector<256x512xi1> to vector<256x512xi32>
    %convert_element_type3A_151 = arith.sitofp %convert_element_type3A_150 : vector<256x512xi32> to vector<256x512xf32>
    %get3A_152 = arith.constant 4 : index
    %get3A_153 = arith.constant 0 : index
    %get3A_154 = arith.constant 0 : index
    %get3A_155 = vector.load %arg3[%get3A_152, %get3A_153, %get3A_154] : memref<32x512x2xf32, #tpu.memory_space<vmem>>, vector<1x512x2xf32>
    %get3A_156 = vector.shape_cast %get3A_155 : vector<1x512x2xf32> to vector<512x2xf32>
    %dot_general3A_157 = arith.constant dense<0.000000e+00> : vector<256x2xf32>
    %dot_general3A_158 = tpu.matmul %convert_element_type3A_151, %get3A_156, %dot_general3A_157 {dimension_numbers = #tpu.dot_dimension_numbers<[1], [0], [0], [1], [0, 0, 1, 1], [], []>, transpose_lhs_hint = false} : vector<256x512xf32>, vector<512x2xf32>, vector<256x2xf32> -> vector<256x2xf32>
    %slice3A_159 = vector.extract_strided_slice %dot_general3A_158 {offsets = [0, 0], sizes = [256, 1], strides = [1, 1]} : vector<256x2xf32> to vector<256x1xf32>
    %mul3A_160 = arith.constant 1.600000e+01 : f32
    %mul3A_161 = vector.broadcast %mul3A_160 : f32 to vector<256x1xf32>
    %mul3A_162 = arith.mulf %slice3A_159, %mul3A_161 : vector<256x1xf32>
    %slice3A_163 = vector.extract_strided_slice %dot_general3A_158 {offsets = [0, 1], sizes = [256, 1], strides = [1, 1]} : vector<256x2xf32> to vector<256x1xf32>
    %add3A_164 = arith.addf %mul3A_162, %slice3A_163 : vector<256x1xf32>
    %neg3A_165 = arith.constant 0.000000e+00 : f32
    %neg3A_166 = vector.broadcast %neg3A_165 : f32 to vector<256x1xf32>
    %neg3A_167 = arith.subf %neg3A_166, %broadcast_in_dim3A_147 : vector<256x1xf32>
    %convert_element_type3A_168 = arith.fptosi %add3A_164 : vector<256x1xf32> to vector<256x1xi32>
    %convert_element_type3A_169 = arith.fptosi %add3A_164 : vector<256x1xf32> to vector<256x1xi32>
    %add3A_170 = arith.constant 2048 : i32
    %add3A_171 = vector.broadcast %add3A_170 : i32 to vector<256x1xi32>
    %add3A_172 = arith.addi %convert_element_type3A_169, %add3A_171 : vector<256x1xi32>
    %slice3A_173 = vector.extract_strided_slice %get3A_1 {offsets = [0, 320], sizes = [256, 64], strides = [1, 1]} : vector<256x2048xf32> to vector<256x64xf32>
    %get3A_174 = arith.constant 5 : index
    %get3A_175 = arith.constant 0 : index
    %get3A_176 = arith.constant 0 : index
    %get3A_177 = vector.load %arg2[%get3A_174, %get3A_175, %get3A_176] : memref<32x512x64xf32, #tpu.memory_space<vmem>>, vector<1x512x64xf32>
    %get3A_178 = vector.shape_cast %get3A_177 : vector<1x512x64xf32> to vector<512x64xf32>
    %dot_general3A_179 = arith.constant dense<0.000000e+00> : vector<256x512xf32>
    %dot_general3A_180 = tpu.matmul %slice3A_173, %get3A_178, %dot_general3A_179 {dimension_numbers = #tpu.dot_dimension_numbers<[1], [1], [0], [0], [0, 0, 1, 0], [], []>, transpose_lhs_hint = false} : vector<256x64xf32>, vector<512x64xf32>, vector<256x512xf32> -> vector<256x512xf32>
    %reduce_max3A_181 = arith.constant dense<0xFF800000> : vector<256xf32>
    %reduce_max3A_182 = vector.multi_reduction <maximumf>, %dot_general3A_180, %reduce_max3A_181 [1] : vector<256x512xf32> to vector<256xf32>
    %broadcast_in_dim3A_183 = vector.shape_cast %reduce_max3A_182 : vector<256xf32> to vector<256x1xf32>
    %ge3A_184 = vector.broadcast %broadcast_in_dim3A_183 : vector<256x1xf32> to vector<256x512xf32>
    %ge3A_185 = arith.cmpf oge, %dot_general3A_180, %ge3A_184 : vector<256x512xf32>
    %convert_element_type3A_186 = arith.extui %ge3A_185 : vector<256x512xi1> to vector<256x512xi32>
    %convert_element_type3A_187 = arith.sitofp %convert_element_type3A_186 : vector<256x512xi32> to vector<256x512xf32>
    %get3A_188 = arith.constant 5 : index
    %get3A_189 = arith.constant 0 : index
    %get3A_190 = arith.constant 0 : index
    %get3A_191 = vector.load %arg3[%get3A_188, %get3A_189, %get3A_190] : memref<32x512x2xf32, #tpu.memory_space<vmem>>, vector<1x512x2xf32>
    %get3A_192 = vector.shape_cast %get3A_191 : vector<1x512x2xf32> to vector<512x2xf32>
    %dot_general3A_193 = arith.constant dense<0.000000e+00> : vector<256x2xf32>
    %dot_general3A_194 = tpu.matmul %convert_element_type3A_187, %get3A_192, %dot_general3A_193 {dimension_numbers = #tpu.dot_dimension_numbers<[1], [0], [0], [1], [0, 0, 1, 1], [], []>, transpose_lhs_hint = false} : vector<256x512xf32>, vector<512x2xf32>, vector<256x2xf32> -> vector<256x2xf32>
    %slice3A_195 = vector.extract_strided_slice %dot_general3A_194 {offsets = [0, 0], sizes = [256, 1], strides = [1, 1]} : vector<256x2xf32> to vector<256x1xf32>
    %mul3A_196 = arith.constant 1.600000e+01 : f32
    %mul3A_197 = vector.broadcast %mul3A_196 : f32 to vector<256x1xf32>
    %mul3A_198 = arith.mulf %slice3A_195, %mul3A_197 : vector<256x1xf32>
    %slice3A_199 = vector.extract_strided_slice %dot_general3A_194 {offsets = [0, 1], sizes = [256, 1], strides = [1, 1]} : vector<256x2xf32> to vector<256x1xf32>
    %add3A_200 = arith.addf %mul3A_198, %slice3A_199 : vector<256x1xf32>
    %neg3A_201 = arith.constant 0.000000e+00 : f32
    %neg3A_202 = vector.broadcast %neg3A_201 : f32 to vector<256x1xf32>
    %neg3A_203 = arith.subf %neg3A_202, %broadcast_in_dim3A_183 : vector<256x1xf32>
    %convert_element_type3A_204 = arith.fptosi %add3A_200 : vector<256x1xf32> to vector<256x1xi32>
    %convert_element_type3A_205 = arith.fptosi %add3A_200 : vector<256x1xf32> to vector<256x1xi32>
    %add3A_206 = arith.constant 2560 : i32
    %add3A_207 = vector.broadcast %add3A_206 : i32 to vector<256x1xi32>
    %add3A_208 = arith.addi %convert_element_type3A_205, %add3A_207 : vector<256x1xi32>
    %slice3A_209 = vector.extract_strided_slice %get3A_1 {offsets = [0, 384], sizes = [256, 64], strides = [1, 1]} : vector<256x2048xf32> to vector<256x64xf32>
    %get3A_210 = arith.constant 6 : index
    %get3A_211 = arith.constant 0 : index
    %get3A_212 = arith.constant 0 : index
    %get3A_213 = vector.load %arg2[%get3A_210, %get3A_211, %get3A_212] : memref<32x512x64xf32, #tpu.memory_space<vmem>>, vector<1x512x64xf32>
    %get3A_214 = vector.shape_cast %get3A_213 : vector<1x512x64xf32> to vector<512x64xf32>
    %dot_general3A_215 = arith.constant dense<0.000000e+00> : vector<256x512xf32>
    %dot_general3A_216 = tpu.matmul %slice3A_209, %get3A_214, %dot_general3A_215 {dimension_numbers = #tpu.dot_dimension_numbers<[1], [1], [0], [0], [0, 0, 1, 0], [], []>, transpose_lhs_hint = false} : vector<256x64xf32>, vector<512x64xf32>, vector<256x512xf32> -> vector<256x512xf32>
    %reduce_max3A_217 = arith.constant dense<0xFF800000> : vector<256xf32>
    %reduce_max3A_218 = vector.multi_reduction <maximumf>, %dot_general3A_216, %reduce_max3A_217 [1] : vector<256x512xf32> to vector<256xf32>
    %broadcast_in_dim3A_219 = vector.shape_cast %reduce_max3A_218 : vector<256xf32> to vector<256x1xf32>
    %ge3A_220 = vector.broadcast %broadcast_in_dim3A_219 : vector<256x1xf32> to vector<256x512xf32>
    %ge3A_221 = arith.cmpf oge, %dot_general3A_216, %ge3A_220 : vector<256x512xf32>
    %convert_element_type3A_222 = arith.extui %ge3A_221 : vector<256x512xi1> to vector<256x512xi32>
    %convert_element_type3A_223 = arith.sitofp %convert_element_type3A_222 : vector<256x512xi32> to vector<256x512xf32>
    %get3A_224 = arith.constant 6 : index
    %get3A_225 = arith.constant 0 : index
    %get3A_226 = arith.constant 0 : index
    %get3A_227 = vector.load %arg3[%get3A_224, %get3A_225, %get3A_226] : memref<32x512x2xf32, #tpu.memory_space<vmem>>, vector<1x512x2xf32>
    %get3A_228 = vector.shape_cast %get3A_227 : vector<1x512x2xf32> to vector<512x2xf32>
    %dot_general3A_229 = arith.constant dense<0.000000e+00> : vector<256x2xf32>
    %dot_general3A_230 = tpu.matmul %convert_element_type3A_223, %get3A_228, %dot_general3A_229 {dimension_numbers = #tpu.dot_dimension_numbers<[1], [0], [0], [1], [0, 0, 1, 1], [], []>, transpose_lhs_hint = false} : vector<256x512xf32>, vector<512x2xf32>, vector<256x2xf32> -> vector<256x2xf32>
    %slice3A_231 = vector.extract_strided_slice %dot_general3A_230 {offsets = [0, 0], sizes = [256, 1], strides = [1, 1]} : vector<256x2xf32> to vector<256x1xf32>
    %mul3A_232 = arith.constant 1.600000e+01 : f32
    %mul3A_233 = vector.broadcast %mul3A_232 : f32 to vector<256x1xf32>
    %mul3A_234 = arith.mulf %slice3A_231, %mul3A_233 : vector<256x1xf32>
    %slice3A_235 = vector.extract_strided_slice %dot_general3A_230 {offsets = [0, 1], sizes = [256, 1], strides = [1, 1]} : vector<256x2xf32> to vector<256x1xf32>
    %add3A_236 = arith.addf %mul3A_234, %slice3A_235 : vector<256x1xf32>
    %neg3A_237 = arith.constant 0.000000e+00 : f32
    %neg3A_238 = vector.broadcast %neg3A_237 : f32 to vector<256x1xf32>
    %neg3A_239 = arith.subf %neg3A_238, %broadcast_in_dim3A_219 : vector<256x1xf32>
    %convert_element_type3A_240 = arith.fptosi %add3A_236 : vector<256x1xf32> to vector<256x1xi32>
    %convert_element_type3A_241 = arith.fptosi %add3A_236 : vector<256x1xf32> to vector<256x1xi32>
    %add3A_242 = arith.constant 3072 : i32
    %add3A_243 = vector.broadcast %add3A_242 : i32 to vector<256x1xi32>
    %add3A_244 = arith.addi %convert_element_type3A_241, %add3A_243 : vector<256x1xi32>
    %slice3A_245 = vector.extract_strided_slice %get3A_1 {offsets = [0, 448], sizes = [256, 64], strides = [1, 1]} : vector<256x2048xf32> to vector<256x64xf32>
    %get3A_246 = arith.constant 7 : index
    %get3A_247 = arith.constant 0 : index
    %get3A_248 = arith.constant 0 : index
    %get3A_249 = vector.load %arg2[%get3A_246, %get3A_247, %get3A_248] : memref<32x512x64xf32, #tpu.memory_space<vmem>>, vector<1x512x64xf32>
    %get3A_250 = vector.shape_cast %get3A_249 : vector<1x512x64xf32> to vector<512x64xf32>
    %dot_general3A_251 = arith.constant dense<0.000000e+00> : vector<256x512xf32>
    %dot_general3A_252 = tpu.matmul %slice3A_245, %get3A_250, %dot_general3A_251 {dimension_numbers = #tpu.dot_dimension_numbers<[1], [1], [0], [0], [0, 0, 1, 0], [], []>, transpose_lhs_hint = false} : vector<256x64xf32>, vector<512x64xf32>, vector<256x512xf32> -> vector<256x512xf32>
    %reduce_max3A_253 = arith.constant dense<0xFF800000> : vector<256xf32>
    %reduce_max3A_254 = vector.multi_reduction <maximumf>, %dot_general3A_252, %reduce_max3A_253 [1] : vector<256x512xf32> to vector<256xf32>
    %broadcast_in_dim3A_255 = vector.shape_cast %reduce_max3A_254 : vector<256xf32> to vector<256x1xf32>
    %ge3A_256 = vector.broadcast %broadcast_in_dim3A_255 : vector<256x1xf32> to vector<256x512xf32>
    %ge3A_257 = arith.cmpf oge, %dot_general3A_252, %ge3A_256 : vector<256x512xf32>
    %convert_element_type3A_258 = arith.extui %ge3A_257 : vector<256x512xi1> to vector<256x512xi32>
    %convert_element_type3A_259 = arith.sitofp %convert_element_type3A_258 : vector<256x512xi32> to vector<256x512xf32>
    %get3A_260 = arith.constant 7 : index
    %get3A_261 = arith.constant 0 : index
    %get3A_262 = arith.constant 0 : index
    %get3A_263 = vector.load %arg3[%get3A_260, %get3A_261, %get3A_262] : memref<32x512x2xf32, #tpu.memory_space<vmem>>, vector<1x512x2xf32>
    %get3A_264 = vector.shape_cast %get3A_263 : vector<1x512x2xf32> to vector<512x2xf32>
    %dot_general3A_265 = arith.constant dense<0.000000e+00> : vector<256x2xf32>
    %dot_general3A_266 = tpu.matmul %convert_element_type3A_259, %get3A_264, %dot_general3A_265 {dimension_numbers = #tpu.dot_dimension_numbers<[1], [0], [0], [1], [0, 0, 1, 1], [], []>, transpose_lhs_hint = false} : vector<256x512xf32>, vector<512x2xf32>, vector<256x2xf32> -> vector<256x2xf32>
    %slice3A_267 = vector.extract_strided_slice %dot_general3A_266 {offsets = [0, 0], sizes = [256, 1], strides = [1, 1]} : vector<256x2xf32> to vector<256x1xf32>
    %mul3A_268 = arith.constant 1.600000e+01 : f32
    %mul3A_269 = vector.broadcast %mul3A_268 : f32 to vector<256x1xf32>
    %mul3A_270 = arith.mulf %slice3A_267, %mul3A_269 : vector<256x1xf32>
    %slice3A_271 = vector.extract_strided_slice %dot_general3A_266 {offsets = [0, 1], sizes = [256, 1], strides = [1, 1]} : vector<256x2xf32> to vector<256x1xf32>
    %add3A_272 = arith.addf %mul3A_270, %slice3A_271 : vector<256x1xf32>
    %neg3A_273 = arith.constant 0.000000e+00 : f32
    %neg3A_274 = vector.broadcast %neg3A_273 : f32 to vector<256x1xf32>
    %neg3A_275 = arith.subf %neg3A_274, %broadcast_in_dim3A_255 : vector<256x1xf32>
    %convert_element_type3A_276 = arith.fptosi %add3A_272 : vector<256x1xf32> to vector<256x1xi32>
    %convert_element_type3A_277 = arith.fptosi %add3A_272 : vector<256x1xf32> to vector<256x1xi32>
    %add3A_278 = arith.constant 3584 : i32
    %add3A_279 = vector.broadcast %add3A_278 : i32 to vector<256x1xi32>
    %add3A_280 = arith.addi %convert_element_type3A_277, %add3A_279 : vector<256x1xi32>
    %slice3A_281 = vector.extract_strided_slice %get3A_1 {offsets = [0, 512], sizes = [256, 64], strides = [1, 1]} : vector<256x2048xf32> to vector<256x64xf32>
    %get3A_282 = arith.constant 8 : index
    %get3A_283 = arith.constant 0 : index
    %get3A_284 = arith.constant 0 : index
    %get3A_285 = vector.load %arg2[%get3A_282, %get3A_283, %get3A_284] : memref<32x512x64xf32, #tpu.memory_space<vmem>>, vector<1x512x64xf32>
    %get3A_286 = vector.shape_cast %get3A_285 : vector<1x512x64xf32> to vector<512x64xf32>
    %dot_general3A_287 = arith.constant dense<0.000000e+00> : vector<256x512xf32>
    %dot_general3A_288 = tpu.matmul %slice3A_281, %get3A_286, %dot_general3A_287 {dimension_numbers = #tpu.dot_dimension_numbers<[1], [1], [0], [0], [0, 0, 1, 0], [], []>, transpose_lhs_hint = false} : vector<256x64xf32>, vector<512x64xf32>, vector<256x512xf32> -> vector<256x512xf32>
    %reduce_max3A_289 = arith.constant dense<0xFF800000> : vector<256xf32>
    %reduce_max3A_290 = vector.multi_reduction <maximumf>, %dot_general3A_288, %reduce_max3A_289 [1] : vector<256x512xf32> to vector<256xf32>
    %broadcast_in_dim3A_291 = vector.shape_cast %reduce_max3A_290 : vector<256xf32> to vector<256x1xf32>
    %ge3A_292 = vector.broadcast %broadcast_in_dim3A_291 : vector<256x1xf32> to vector<256x512xf32>
    %ge3A_293 = arith.cmpf oge, %dot_general3A_288, %ge3A_292 : vector<256x512xf32>
    %convert_element_type3A_294 = arith.extui %ge3A_293 : vector<256x512xi1> to vector<256x512xi32>
    %convert_element_type3A_295 = arith.sitofp %convert_element_type3A_294 : vector<256x512xi32> to vector<256x512xf32>
    %get3A_296 = arith.constant 8 : index
    %get3A_297 = arith.constant 0 : index
    %get3A_298 = arith.constant 0 : index
    %get3A_299 = vector.load %arg3[%get3A_296, %get3A_297, %get3A_298] : memref<32x512x2xf32, #tpu.memory_space<vmem>>, vector<1x512x2xf32>
    %get3A_300 = vector.shape_cast %get3A_299 : vector<1x512x2xf32> to vector<512x2xf32>
    %dot_general3A_301 = arith.constant dense<0.000000e+00> : vector<256x2xf32>
    %dot_general3A_302 = tpu.matmul %convert_element_type3A_295, %get3A_300, %dot_general3A_301 {dimension_numbers = #tpu.dot_dimension_numbers<[1], [0], [0], [1], [0, 0, 1, 1], [], []>, transpose_lhs_hint = false} : vector<256x512xf32>, vector<512x2xf32>, vector<256x2xf32> -> vector<256x2xf32>
    %slice3A_303 = vector.extract_strided_slice %dot_general3A_302 {offsets = [0, 0], sizes = [256, 1], strides = [1, 1]} : vector<256x2xf32> to vector<256x1xf32>
    %mul3A_304 = arith.constant 1.600000e+01 : f32
    %mul3A_305 = vector.broadcast %mul3A_304 : f32 to vector<256x1xf32>
    %mul3A_306 = arith.mulf %slice3A_303, %mul3A_305 : vector<256x1xf32>
    %slice3A_307 = vector.extract_strided_slice %dot_general3A_302 {offsets = [0, 1], sizes = [256, 1], strides = [1, 1]} : vector<256x2xf32> to vector<256x1xf32>
    %add3A_308 = arith.addf %mul3A_306, %slice3A_307 : vector<256x1xf32>
    %neg3A_309 = arith.constant 0.000000e+00 : f32
    %neg3A_310 = vector.broadcast %neg3A_309 : f32 to vector<256x1xf32>
    %neg3A_311 = arith.subf %neg3A_310, %broadcast_in_dim3A_291 : vector<256x1xf32>
    %convert_element_type3A_312 = arith.fptosi %add3A_308 : vector<256x1xf32> to vector<256x1xi32>
    %convert_element_type3A_313 = arith.fptosi %add3A_308 : vector<256x1xf32> to vector<256x1xi32>
    %add3A_314 = arith.constant 4096 : i32
    %add3A_315 = vector.broadcast %add3A_314 : i32 to vector<256x1xi32>
    %add3A_316 = arith.addi %convert_element_type3A_313, %add3A_315 : vector<256x1xi32>
    %slice3A_317 = vector.extract_strided_slice %get3A_1 {offsets = [0, 576], sizes = [256, 64], strides = [1, 1]} : vector<256x2048xf32> to vector<256x64xf32>
    %get3A_318 = arith.constant 9 : index
    %get3A_319 = arith.constant 0 : index
    %get3A_320 = arith.constant 0 : index
    %get3A_321 = vector.load %arg2[%get3A_318, %get3A_319, %get3A_320] : memref<32x512x64xf32, #tpu.memory_space<vmem>>, vector<1x512x64xf32>
    %get3A_322 = vector.shape_cast %get3A_321 : vector<1x512x64xf32> to vector<512x64xf32>
    %dot_general3A_323 = arith.constant dense<0.000000e+00> : vector<256x512xf32>
    %dot_general3A_324 = tpu.matmul %slice3A_317, %get3A_322, %dot_general3A_323 {dimension_numbers = #tpu.dot_dimension_numbers<[1], [1], [0], [0], [0, 0, 1, 0], [], []>, transpose_lhs_hint = false} : vector<256x64xf32>, vector<512x64xf32>, vector<256x512xf32> -> vector<256x512xf32>
    %reduce_max3A_325 = arith.constant dense<0xFF800000> : vector<256xf32>
    %reduce_max3A_326 = vector.multi_reduction <maximumf>, %dot_general3A_324, %reduce_max3A_325 [1] : vector<256x512xf32> to vector<256xf32>
    %broadcast_in_dim3A_327 = vector.shape_cast %reduce_max3A_326 : vector<256xf32> to vector<256x1xf32>
    %ge3A_328 = vector.broadcast %broadcast_in_dim3A_327 : vector<256x1xf32> to vector<256x512xf32>
    %ge3A_329 = arith.cmpf oge, %dot_general3A_324, %ge3A_328 : vector<256x512xf32>
    %convert_element_type3A_330 = arith.extui %ge3A_329 : vector<256x512xi1> to vector<256x512xi32>
    %convert_element_type3A_331 = arith.sitofp %convert_element_type3A_330 : vector<256x512xi32> to vector<256x512xf32>
    %get3A_332 = arith.constant 9 : index
    %get3A_333 = arith.constant 0 : index
    %get3A_334 = arith.constant 0 : index
    %get3A_335 = vector.load %arg3[%get3A_332, %get3A_333, %get3A_334] : memref<32x512x2xf32, #tpu.memory_space<vmem>>, vector<1x512x2xf32>
    %get3A_336 = vector.shape_cast %get3A_335 : vector<1x512x2xf32> to vector<512x2xf32>
    %dot_general3A_337 = arith.constant dense<0.000000e+00> : vector<256x2xf32>
    %dot_general3A_338 = tpu.matmul %convert_element_type3A_331, %get3A_336, %dot_general3A_337 {dimension_numbers = #tpu.dot_dimension_numbers<[1], [0], [0], [1], [0, 0, 1, 1], [], []>, transpose_lhs_hint = false} : vector<256x512xf32>, vector<512x2xf32>, vector<256x2xf32> -> vector<256x2xf32>
    %slice3A_339 = vector.extract_strided_slice %dot_general3A_338 {offsets = [0, 0], sizes = [256, 1], strides = [1, 1]} : vector<256x2xf32> to vector<256x1xf32>
    %mul3A_340 = arith.constant 1.600000e+01 : f32
    %mul3A_341 = vector.broadcast %mul3A_340 : f32 to vector<256x1xf32>
    %mul3A_342 = arith.mulf %slice3A_339, %mul3A_341 : vector<256x1xf32>
    %slice3A_343 = vector.extract_strided_slice %dot_general3A_338 {offsets = [0, 1], sizes = [256, 1], strides = [1, 1]} : vector<256x2xf32> to vector<256x1xf32>
    %add3A_344 = arith.addf %mul3A_342, %slice3A_343 : vector<256x1xf32>
    %neg3A_345 = arith.constant 0.000000e+00 : f32
    %neg3A_346 = vector.broadcast %neg3A_345 : f32 to vector<256x1xf32>
    %neg3A_347 = arith.subf %neg3A_346, %broadcast_in_dim3A_327 : vector<256x1xf32>
    %convert_element_type3A_348 = arith.fptosi %add3A_344 : vector<256x1xf32> to vector<256x1xi32>
    %convert_element_type3A_349 = arith.fptosi %add3A_344 : vector<256x1xf32> to vector<256x1xi32>
    %add3A_350 = arith.constant 4608 : i32
    %add3A_351 = vector.broadcast %add3A_350 : i32 to vector<256x1xi32>
    %add3A_352 = arith.addi %convert_element_type3A_349, %add3A_351 : vector<256x1xi32>
    %slice3A_353 = vector.extract_strided_slice %get3A_1 {offsets = [0, 640], sizes = [256, 64], strides = [1, 1]} : vector<256x2048xf32> to vector<256x64xf32>
    %get3A_354 = arith.constant 10 : index
    %get3A_355 = arith.constant 0 : index
    %get3A_356 = arith.constant 0 : index
    %get3A_357 = vector.load %arg2[%get3A_354, %get3A_355, %get3A_356] : memref<32x512x64xf32, #tpu.memory_space<vmem>>, vector<1x512x64xf32>
    %get3A_358 = vector.shape_cast %get3A_357 : vector<1x512x64xf32> to vector<512x64xf32>
    %dot_general3A_359 = arith.constant dense<0.000000e+00> : vector<256x512xf32>
    %dot_general3A_360 = tpu.matmul %slice3A_353, %get3A_358, %dot_general3A_359 {dimension_numbers = #tpu.dot_dimension_numbers<[1], [1], [0], [0], [0, 0, 1, 0], [], []>, transpose_lhs_hint = false} : vector<256x64xf32>, vector<512x64xf32>, vector<256x512xf32> -> vector<256x512xf32>
    %reduce_max3A_361 = arith.constant dense<0xFF800000> : vector<256xf32>
    %reduce_max3A_362 = vector.multi_reduction <maximumf>, %dot_general3A_360, %reduce_max3A_361 [1] : vector<256x512xf32> to vector<256xf32>
    %broadcast_in_dim3A_363 = vector.shape_cast %reduce_max3A_362 : vector<256xf32> to vector<256x1xf32>
    %ge3A_364 = vector.broadcast %broadcast_in_dim3A_363 : vector<256x1xf32> to vector<256x512xf32>
    %ge3A_365 = arith.cmpf oge, %dot_general3A_360, %ge3A_364 : vector<256x512xf32>
    %convert_element_type3A_366 = arith.extui %ge3A_365 : vector<256x512xi1> to vector<256x512xi32>
    %convert_element_type3A_367 = arith.sitofp %convert_element_type3A_366 : vector<256x512xi32> to vector<256x512xf32>
    %get3A_368 = arith.constant 10 : index
    %get3A_369 = arith.constant 0 : index
    %get3A_370 = arith.constant 0 : index
    %get3A_371 = vector.load %arg3[%get3A_368, %get3A_369, %get3A_370] : memref<32x512x2xf32, #tpu.memory_space<vmem>>, vector<1x512x2xf32>
    %get3A_372 = vector.shape_cast %get3A_371 : vector<1x512x2xf32> to vector<512x2xf32>
    %dot_general3A_373 = arith.constant dense<0.000000e+00> : vector<256x2xf32>
    %dot_general3A_374 = tpu.matmul %convert_element_type3A_367, %get3A_372, %dot_general3A_373 {dimension_numbers = #tpu.dot_dimension_numbers<[1], [0], [0], [1], [0, 0, 1, 1], [], []>, transpose_lhs_hint = false} : vector<256x512xf32>, vector<512x2xf32>, vector<256x2xf32> -> vector<256x2xf32>
    %slice3A_375 = vector.extract_strided_slice %dot_general3A_374 {offsets = [0, 0], sizes = [256, 1], strides = [1, 1]} : vector<256x2xf32> to vector<256x1xf32>
    %mul3A_376 = arith.constant 1.600000e+01 : f32
    %mul3A_377 = vector.broadcast %mul3A_376 : f32 to vector<256x1xf32>
    %mul3A_378 = arith.mulf %slice3A_375, %mul3A_377 : vector<256x1xf32>
    %slice3A_379 = vector.extract_strided_slice %dot_general3A_374 {offsets = [0, 1], sizes = [256, 1], strides = [1, 1]} : vector<256x2xf32> to vector<256x1xf32>
    %add3A_380 = arith.addf %mul3A_378, %slice3A_379 : vector<256x1xf32>
    %neg3A_381 = arith.constant 0.000000e+00 : f32
    %neg3A_382 = vector.broadcast %neg3A_381 : f32 to vector<256x1xf32>
    %neg3A_383 = arith.subf %neg3A_382, %broadcast_in_dim3A_363 : vector<256x1xf32>
    %convert_element_type3A_384 = arith.fptosi %add3A_380 : vector<256x1xf32> to vector<256x1xi32>
    %convert_element_type3A_385 = arith.fptosi %add3A_380 : vector<256x1xf32> to vector<256x1xi32>
    %add3A_386 = arith.constant 5120 : i32
    %add3A_387 = vector.broadcast %add3A_386 : i32 to vector<256x1xi32>
    %add3A_388 = arith.addi %convert_element_type3A_385, %add3A_387 : vector<256x1xi32>
    %slice3A_389 = vector.extract_strided_slice %get3A_1 {offsets = [0, 704], sizes = [256, 64], strides = [1, 1]} : vector<256x2048xf32> to vector<256x64xf32>
    %get3A_390 = arith.constant 11 : index
    %get3A_391 = arith.constant 0 : index
    %get3A_392 = arith.constant 0 : index
    %get3A_393 = vector.load %arg2[%get3A_390, %get3A_391, %get3A_392] : memref<32x512x64xf32, #tpu.memory_space<vmem>>, vector<1x512x64xf32>
    %get3A_394 = vector.shape_cast %get3A_393 : vector<1x512x64xf32> to vector<512x64xf32>
    %dot_general3A_395 = arith.constant dense<0.000000e+00> : vector<256x512xf32>
    %dot_general3A_396 = tpu.matmul %slice3A_389, %get3A_394, %dot_general3A_395 {dimension_numbers = #tpu.dot_dimension_numbers<[1], [1], [0], [0], [0, 0, 1, 0], [], []>, transpose_lhs_hint = false} : vector<256x64xf32>, vector<512x64xf32>, vector<256x512xf32> -> vector<256x512xf32>
    %reduce_max3A_397 = arith.constant dense<0xFF800000> : vector<256xf32>
    %reduce_max3A_398 = vector.multi_reduction <maximumf>, %dot_general3A_396, %reduce_max3A_397 [1] : vector<256x512xf32> to vector<256xf32>
    %broadcast_in_dim3A_399 = vector.shape_cast %reduce_max3A_398 : vector<256xf32> to vector<256x1xf32>
    %ge3A_400 = vector.broadcast %broadcast_in_dim3A_399 : vector<256x1xf32> to vector<256x512xf32>
    %ge3A_401 = arith.cmpf oge, %dot_general3A_396, %ge3A_400 : vector<256x512xf32>
    %convert_element_type3A_402 = arith.extui %ge3A_401 : vector<256x512xi1> to vector<256x512xi32>
    %convert_element_type3A_403 = arith.sitofp %convert_element_type3A_402 : vector<256x512xi32> to vector<256x512xf32>
    %get3A_404 = arith.constant 11 : index
    %get3A_405 = arith.constant 0 : index
    %get3A_406 = arith.constant 0 : index
    %get3A_407 = vector.load %arg3[%get3A_404, %get3A_405, %get3A_406] : memref<32x512x2xf32, #tpu.memory_space<vmem>>, vector<1x512x2xf32>
    %get3A_408 = vector.shape_cast %get3A_407 : vector<1x512x2xf32> to vector<512x2xf32>
    %dot_general3A_409 = arith.constant dense<0.000000e+00> : vector<256x2xf32>
    %dot_general3A_410 = tpu.matmul %convert_element_type3A_403, %get3A_408, %dot_general3A_409 {dimension_numbers = #tpu.dot_dimension_numbers<[1], [0], [0], [1], [0, 0, 1, 1], [], []>, transpose_lhs_hint = false} : vector<256x512xf32>, vector<512x2xf32>, vector<256x2xf32> -> vector<256x2xf32>
    %slice3A_411 = vector.extract_strided_slice %dot_general3A_410 {offsets = [0, 0], sizes = [256, 1], strides = [1, 1]} : vector<256x2xf32> to vector<256x1xf32>
    %mul3A_412 = arith.constant 1.600000e+01 : f32
    %mul3A_413 = vector.broadcast %mul3A_412 : f32 to vector<256x1xf32>
    %mul3A_414 = arith.mulf %slice3A_411, %mul3A_413 : vector<256x1xf32>
    %slice3A_415 = vector.extract_strided_slice %dot_general3A_410 {offsets = [0, 1], sizes = [256, 1], strides = [1, 1]} : vector<256x2xf32> to vector<256x1xf32>
    %add3A_416 = arith.addf %mul3A_414, %slice3A_415 : vector<256x1xf32>
    %neg3A_417 = arith.constant 0.000000e+00 : f32
    %neg3A_418 = vector.broadcast %neg3A_417 : f32 to vector<256x1xf32>
    %neg3A_419 = arith.subf %neg3A_418, %broadcast_in_dim3A_399 : vector<256x1xf32>
    %convert_element_type3A_420 = arith.fptosi %add3A_416 : vector<256x1xf32> to vector<256x1xi32>
    %convert_element_type3A_421 = arith.fptosi %add3A_416 : vector<256x1xf32> to vector<256x1xi32>
    %add3A_422 = arith.constant 5632 : i32
    %add3A_423 = vector.broadcast %add3A_422 : i32 to vector<256x1xi32>
    %add3A_424 = arith.addi %convert_element_type3A_421, %add3A_423 : vector<256x1xi32>
    %slice3A_425 = vector.extract_strided_slice %get3A_1 {offsets = [0, 768], sizes = [256, 64], strides = [1, 1]} : vector<256x2048xf32> to vector<256x64xf32>
    %get3A_426 = arith.constant 12 : index
    %get3A_427 = arith.constant 0 : index
    %get3A_428 = arith.constant 0 : index
    %get3A_429 = vector.load %arg2[%get3A_426, %get3A_427, %get3A_428] : memref<32x512x64xf32, #tpu.memory_space<vmem>>, vector<1x512x64xf32>
    %get3A_430 = vector.shape_cast %get3A_429 : vector<1x512x64xf32> to vector<512x64xf32>
    %dot_general3A_431 = arith.constant dense<0.000000e+00> : vector<256x512xf32>
    %dot_general3A_432 = tpu.matmul %slice3A_425, %get3A_430, %dot_general3A_431 {dimension_numbers = #tpu.dot_dimension_numbers<[1], [1], [0], [0], [0, 0, 1, 0], [], []>, transpose_lhs_hint = false} : vector<256x64xf32>, vector<512x64xf32>, vector<256x512xf32> -> vector<256x512xf32>
    %reduce_max3A_433 = arith.constant dense<0xFF800000> : vector<256xf32>
    %reduce_max3A_434 = vector.multi_reduction <maximumf>, %dot_general3A_432, %reduce_max3A_433 [1] : vector<256x512xf32> to vector<256xf32>
    %broadcast_in_dim3A_435 = vector.shape_cast %reduce_max3A_434 : vector<256xf32> to vector<256x1xf32>
    %ge3A_436 = vector.broadcast %broadcast_in_dim3A_435 : vector<256x1xf32> to vector<256x512xf32>
    %ge3A_437 = arith.cmpf oge, %dot_general3A_432, %ge3A_436 : vector<256x512xf32>
    %convert_element_type3A_438 = arith.extui %ge3A_437 : vector<256x512xi1> to vector<256x512xi32>
    %convert_element_type3A_439 = arith.sitofp %convert_element_type3A_438 : vector<256x512xi32> to vector<256x512xf32>
    %get3A_440 = arith.constant 12 : index
    %get3A_441 = arith.constant 0 : index
    %get3A_442 = arith.constant 0 : index
    %get3A_443 = vector.load %arg3[%get3A_440, %get3A_441, %get3A_442] : memref<32x512x2xf32, #tpu.memory_space<vmem>>, vector<1x512x2xf32>
    %get3A_444 = vector.shape_cast %get3A_443 : vector<1x512x2xf32> to vector<512x2xf32>
    %dot_general3A_445 = arith.constant dense<0.000000e+00> : vector<256x2xf32>
    %dot_general3A_446 = tpu.matmul %convert_element_type3A_439, %get3A_444, %dot_general3A_445 {dimension_numbers = #tpu.dot_dimension_numbers<[1], [0], [0], [1], [0, 0, 1, 1], [], []>, transpose_lhs_hint = false} : vector<256x512xf32>, vector<512x2xf32>, vector<256x2xf32> -> vector<256x2xf32>
    %slice3A_447 = vector.extract_strided_slice %dot_general3A_446 {offsets = [0, 0], sizes = [256, 1], strides = [1, 1]} : vector<256x2xf32> to vector<256x1xf32>
    %mul3A_448 = arith.constant 1.600000e+01 : f32
    %mul3A_449 = vector.broadcast %mul3A_448 : f32 to vector<256x1xf32>
    %mul3A_450 = arith.mulf %slice3A_447, %mul3A_449 : vector<256x1xf32>
    %slice3A_451 = vector.extract_strided_slice %dot_general3A_446 {offsets = [0, 1], sizes = [256, 1], strides = [1, 1]} : vector<256x2xf32> to vector<256x1xf32>
    %add3A_452 = arith.addf %mul3A_450, %slice3A_451 : vector<256x1xf32>
    %neg3A_453 = arith.constant 0.000000e+00 : f32
    %neg3A_454 = vector.broadcast %neg3A_453 : f32 to vector<256x1xf32>
    %neg3A_455 = arith.subf %neg3A_454, %broadcast_in_dim3A_435 : vector<256x1xf32>
    %convert_element_type3A_456 = arith.fptosi %add3A_452 : vector<256x1xf32> to vector<256x1xi32>
    %convert_element_type3A_457 = arith.fptosi %add3A_452 : vector<256x1xf32> to vector<256x1xi32>
    %add3A_458 = arith.constant 6144 : i32
    %add3A_459 = vector.broadcast %add3A_458 : i32 to vector<256x1xi32>
    %add3A_460 = arith.addi %convert_element_type3A_457, %add3A_459 : vector<256x1xi32>
    %slice3A_461 = vector.extract_strided_slice %get3A_1 {offsets = [0, 832], sizes = [256, 64], strides = [1, 1]} : vector<256x2048xf32> to vector<256x64xf32>
    %get3A_462 = arith.constant 13 : index
    %get3A_463 = arith.constant 0 : index
    %get3A_464 = arith.constant 0 : index
    %get3A_465 = vector.load %arg2[%get3A_462, %get3A_463, %get3A_464] : memref<32x512x64xf32, #tpu.memory_space<vmem>>, vector<1x512x64xf32>
    %get3A_466 = vector.shape_cast %get3A_465 : vector<1x512x64xf32> to vector<512x64xf32>
    %dot_general3A_467 = arith.constant dense<0.000000e+00> : vector<256x512xf32>
    %dot_general3A_468 = tpu.matmul %slice3A_461, %get3A_466, %dot_general3A_467 {dimension_numbers = #tpu.dot_dimension_numbers<[1], [1], [0], [0], [0, 0, 1, 0], [], []>, transpose_lhs_hint = false} : vector<256x64xf32>, vector<512x64xf32>, vector<256x512xf32> -> vector<256x512xf32>
    %reduce_max3A_469 = arith.constant dense<0xFF800000> : vector<256xf32>
    %reduce_max3A_470 = vector.multi_reduction <maximumf>, %dot_general3A_468, %reduce_max3A_469 [1] : vector<256x512xf32> to vector<256xf32>
    %broadcast_in_dim3A_471 = vector.shape_cast %reduce_max3A_470 : vector<256xf32> to vector<256x1xf32>
    %ge3A_472 = vector.broadcast %broadcast_in_dim3A_471 : vector<256x1xf32> to vector<256x512xf32>
    %ge3A_473 = arith.cmpf oge, %dot_general3A_468, %ge3A_472 : vector<256x512xf32>
    %convert_element_type3A_474 = arith.extui %ge3A_473 : vector<256x512xi1> to vector<256x512xi32>
    %convert_element_type3A_475 = arith.sitofp %convert_element_type3A_474 : vector<256x512xi32> to vector<256x512xf32>
    %get3A_476 = arith.constant 13 : index
    %get3A_477 = arith.constant 0 : index
    %get3A_478 = arith.constant 0 : index
    %get3A_479 = vector.load %arg3[%get3A_476, %get3A_477, %get3A_478] : memref<32x512x2xf32, #tpu.memory_space<vmem>>, vector<1x512x2xf32>
    %get3A_480 = vector.shape_cast %get3A_479 : vector<1x512x2xf32> to vector<512x2xf32>
    %dot_general3A_481 = arith.constant dense<0.000000e+00> : vector<256x2xf32>
    %dot_general3A_482 = tpu.matmul %convert_element_type3A_475, %get3A_480, %dot_general3A_481 {dimension_numbers = #tpu.dot_dimension_numbers<[1], [0], [0], [1], [0, 0, 1, 1], [], []>, transpose_lhs_hint = false} : vector<256x512xf32>, vector<512x2xf32>, vector<256x2xf32> -> vector<256x2xf32>
    %slice3A_483 = vector.extract_strided_slice %dot_general3A_482 {offsets = [0, 0], sizes = [256, 1], strides = [1, 1]} : vector<256x2xf32> to vector<256x1xf32>
    %mul3A_484 = arith.constant 1.600000e+01 : f32
    %mul3A_485 = vector.broadcast %mul3A_484 : f32 to vector<256x1xf32>
    %mul3A_486 = arith.mulf %slice3A_483, %mul3A_485 : vector<256x1xf32>
    %slice3A_487 = vector.extract_strided_slice %dot_general3A_482 {offsets = [0, 1], sizes = [256, 1], strides = [1, 1]} : vector<256x2xf32> to vector<256x1xf32>
    %add3A_488 = arith.addf %mul3A_486, %slice3A_487 : vector<256x1xf32>
    %neg3A_489 = arith.constant 0.000000e+00 : f32
    %neg3A_490 = vector.broadcast %neg3A_489 : f32 to vector<256x1xf32>
    %neg3A_491 = arith.subf %neg3A_490, %broadcast_in_dim3A_471 : vector<256x1xf32>
    %convert_element_type3A_492 = arith.fptosi %add3A_488 : vector<256x1xf32> to vector<256x1xi32>
    %convert_element_type3A_493 = arith.fptosi %add3A_488 : vector<256x1xf32> to vector<256x1xi32>
    %add3A_494 = arith.constant 6656 : i32
    %add3A_495 = vector.broadcast %add3A_494 : i32 to vector<256x1xi32>
    %add3A_496 = arith.addi %convert_element_type3A_493, %add3A_495 : vector<256x1xi32>
    %slice3A_497 = vector.extract_strided_slice %get3A_1 {offsets = [0, 896], sizes = [256, 64], strides = [1, 1]} : vector<256x2048xf32> to vector<256x64xf32>
    %get3A_498 = arith.constant 14 : index
    %get3A_499 = arith.constant 0 : index
    %get3A_500 = arith.constant 0 : index
    %get3A_501 = vector.load %arg2[%get3A_498, %get3A_499, %get3A_500] : memref<32x512x64xf32, #tpu.memory_space<vmem>>, vector<1x512x64xf32>
    %get3A_502 = vector.shape_cast %get3A_501 : vector<1x512x64xf32> to vector<512x64xf32>
    %dot_general3A_503 = arith.constant dense<0.000000e+00> : vector<256x512xf32>
    %dot_general3A_504 = tpu.matmul %slice3A_497, %get3A_502, %dot_general3A_503 {dimension_numbers = #tpu.dot_dimension_numbers<[1], [1], [0], [0], [0, 0, 1, 0], [], []>, transpose_lhs_hint = false} : vector<256x64xf32>, vector<512x64xf32>, vector<256x512xf32> -> vector<256x512xf32>
    %reduce_max3A_505 = arith.constant dense<0xFF800000> : vector<256xf32>
    %reduce_max3A_506 = vector.multi_reduction <maximumf>, %dot_general3A_504, %reduce_max3A_505 [1] : vector<256x512xf32> to vector<256xf32>
    %broadcast_in_dim3A_507 = vector.shape_cast %reduce_max3A_506 : vector<256xf32> to vector<256x1xf32>
    %ge3A_508 = vector.broadcast %broadcast_in_dim3A_507 : vector<256x1xf32> to vector<256x512xf32>
    %ge3A_509 = arith.cmpf oge, %dot_general3A_504, %ge3A_508 : vector<256x512xf32>
    %convert_element_type3A_510 = arith.extui %ge3A_509 : vector<256x512xi1> to vector<256x512xi32>
    %convert_element_type3A_511 = arith.sitofp %convert_element_type3A_510 : vector<256x512xi32> to vector<256x512xf32>
    %get3A_512 = arith.constant 14 : index
    %get3A_513 = arith.constant 0 : index
    %get3A_514 = arith.constant 0 : index
    %get3A_515 = vector.load %arg3[%get3A_512, %get3A_513, %get3A_514] : memref<32x512x2xf32, #tpu.memory_space<vmem>>, vector<1x512x2xf32>
    %get3A_516 = vector.shape_cast %get3A_515 : vector<1x512x2xf32> to vector<512x2xf32>
    %dot_general3A_517 = arith.constant dense<0.000000e+00> : vector<256x2xf32>
    %dot_general3A_518 = tpu.matmul %convert_element_type3A_511, %get3A_516, %dot_general3A_517 {dimension_numbers = #tpu.dot_dimension_numbers<[1], [0], [0], [1], [0, 0, 1, 1], [], []>, transpose_lhs_hint = false} : vector<256x512xf32>, vector<512x2xf32>, vector<256x2xf32> -> vector<256x2xf32>
    %slice3A_519 = vector.extract_strided_slice %dot_general3A_518 {offsets = [0, 0], sizes = [256, 1], strides = [1, 1]} : vector<256x2xf32> to vector<256x1xf32>
    %mul3A_520 = arith.constant 1.600000e+01 : f32
    %mul3A_521 = vector.broadcast %mul3A_520 : f32 to vector<256x1xf32>
    %mul3A_522 = arith.mulf %slice3A_519, %mul3A_521 : vector<256x1xf32>
    %slice3A_523 = vector.extract_strided_slice %dot_general3A_518 {offsets = [0, 1], sizes = [256, 1], strides = [1, 1]} : vector<256x2xf32> to vector<256x1xf32>
    %add3A_524 = arith.addf %mul3A_522, %slice3A_523 : vector<256x1xf32>
    %neg3A_525 = arith.constant 0.000000e+00 : f32
    %neg3A_526 = vector.broadcast %neg3A_525 : f32 to vector<256x1xf32>
    %neg3A_527 = arith.subf %neg3A_526, %broadcast_in_dim3A_507 : vector<256x1xf32>
    %convert_element_type3A_528 = arith.fptosi %add3A_524 : vector<256x1xf32> to vector<256x1xi32>
    %convert_element_type3A_529 = arith.fptosi %add3A_524 : vector<256x1xf32> to vector<256x1xi32>
    %add3A_530 = arith.constant 7168 : i32
    %add3A_531 = vector.broadcast %add3A_530 : i32 to vector<256x1xi32>
    %add3A_532 = arith.addi %convert_element_type3A_529, %add3A_531 : vector<256x1xi32>
    %slice3A_533 = vector.extract_strided_slice %get3A_1 {offsets = [0, 960], sizes = [256, 64], strides = [1, 1]} : vector<256x2048xf32> to vector<256x64xf32>
    %get3A_534 = arith.constant 15 : index
    %get3A_535 = arith.constant 0 : index
    %get3A_536 = arith.constant 0 : index
    %get3A_537 = vector.load %arg2[%get3A_534, %get3A_535, %get3A_536] : memref<32x512x64xf32, #tpu.memory_space<vmem>>, vector<1x512x64xf32>
    %get3A_538 = vector.shape_cast %get3A_537 : vector<1x512x64xf32> to vector<512x64xf32>
    %dot_general3A_539 = arith.constant dense<0.000000e+00> : vector<256x512xf32>
    %dot_general3A_540 = tpu.matmul %slice3A_533, %get3A_538, %dot_general3A_539 {dimension_numbers = #tpu.dot_dimension_numbers<[1], [1], [0], [0], [0, 0, 1, 0], [], []>, transpose_lhs_hint = false} : vector<256x64xf32>, vector<512x64xf32>, vector<256x512xf32> -> vector<256x512xf32>
    %reduce_max3A_541 = arith.constant dense<0xFF800000> : vector<256xf32>
    %reduce_max3A_542 = vector.multi_reduction <maximumf>, %dot_general3A_540, %reduce_max3A_541 [1] : vector<256x512xf32> to vector<256xf32>
    %broadcast_in_dim3A_543 = vector.shape_cast %reduce_max3A_542 : vector<256xf32> to vector<256x1xf32>
    %ge3A_544 = vector.broadcast %broadcast_in_dim3A_543 : vector<256x1xf32> to vector<256x512xf32>
    %ge3A_545 = arith.cmpf oge, %dot_general3A_540, %ge3A_544 : vector<256x512xf32>
    %convert_element_type3A_546 = arith.extui %ge3A_545 : vector<256x512xi1> to vector<256x512xi32>
    %convert_element_type3A_547 = arith.sitofp %convert_element_type3A_546 : vector<256x512xi32> to vector<256x512xf32>
    %get3A_548 = arith.constant 15 : index
    %get3A_549 = arith.constant 0 : index
    %get3A_550 = arith.constant 0 : index
    %get3A_551 = vector.load %arg3[%get3A_548, %get3A_549, %get3A_550] : memref<32x512x2xf32, #tpu.memory_space<vmem>>, vector<1x512x2xf32>
    %get3A_552 = vector.shape_cast %get3A_551 : vector<1x512x2xf32> to vector<512x2xf32>
    %dot_general3A_553 = arith.constant dense<0.000000e+00> : vector<256x2xf32>
    %dot_general3A_554 = tpu.matmul %convert_element_type3A_547, %get3A_552, %dot_general3A_553 {dimension_numbers = #tpu.dot_dimension_numbers<[1], [0], [0], [1], [0, 0, 1, 1], [], []>, transpose_lhs_hint = false} : vector<256x512xf32>, vector<512x2xf32>, vector<256x2xf32> -> vector<256x2xf32>
    %slice3A_555 = vector.extract_strided_slice %dot_general3A_554 {offsets = [0, 0], sizes = [256, 1], strides = [1, 1]} : vector<256x2xf32> to vector<256x1xf32>
    %mul3A_556 = arith.constant 1.600000e+01 : f32
    %mul3A_557 = vector.broadcast %mul3A_556 : f32 to vector<256x1xf32>
    %mul3A_558 = arith.mulf %slice3A_555, %mul3A_557 : vector<256x1xf32>
    %slice3A_559 = vector.extract_strided_slice %dot_general3A_554 {offsets = [0, 1], sizes = [256, 1], strides = [1, 1]} : vector<256x2xf32> to vector<256x1xf32>
    %add3A_560 = arith.addf %mul3A_558, %slice3A_559 : vector<256x1xf32>
    %neg3A_561 = arith.constant 0.000000e+00 : f32
    %neg3A_562 = vector.broadcast %neg3A_561 : f32 to vector<256x1xf32>
    %neg3A_563 = arith.subf %neg3A_562, %broadcast_in_dim3A_543 : vector<256x1xf32>
    %convert_element_type3A_564 = arith.fptosi %add3A_560 : vector<256x1xf32> to vector<256x1xi32>
    %convert_element_type3A_565 = arith.fptosi %add3A_560 : vector<256x1xf32> to vector<256x1xi32>
    %add3A_566 = arith.constant 7680 : i32
    %add3A_567 = vector.broadcast %add3A_566 : i32 to vector<256x1xi32>
    %add3A_568 = arith.addi %convert_element_type3A_565, %add3A_567 : vector<256x1xi32>
    %slice3A_569 = vector.extract_strided_slice %get3A_1 {offsets = [0, 1024], sizes = [256, 64], strides = [1, 1]} : vector<256x2048xf32> to vector<256x64xf32>
    %get3A_570 = arith.constant 16 : index
    %get3A_571 = arith.constant 0 : index
    %get3A_572 = arith.constant 0 : index
    %get3A_573 = vector.load %arg2[%get3A_570, %get3A_571, %get3A_572] : memref<32x512x64xf32, #tpu.memory_space<vmem>>, vector<1x512x64xf32>
    %get3A_574 = vector.shape_cast %get3A_573 : vector<1x512x64xf32> to vector<512x64xf32>
    %dot_general3A_575 = arith.constant dense<0.000000e+00> : vector<256x512xf32>
    %dot_general3A_576 = tpu.matmul %slice3A_569, %get3A_574, %dot_general3A_575 {dimension_numbers = #tpu.dot_dimension_numbers<[1], [1], [0], [0], [0, 0, 1, 0], [], []>, transpose_lhs_hint = false} : vector<256x64xf32>, vector<512x64xf32>, vector<256x512xf32> -> vector<256x512xf32>
    %reduce_max3A_577 = arith.constant dense<0xFF800000> : vector<256xf32>
    %reduce_max3A_578 = vector.multi_reduction <maximumf>, %dot_general3A_576, %reduce_max3A_577 [1] : vector<256x512xf32> to vector<256xf32>
    %broadcast_in_dim3A_579 = vector.shape_cast %reduce_max3A_578 : vector<256xf32> to vector<256x1xf32>
    %ge3A_580 = vector.broadcast %broadcast_in_dim3A_579 : vector<256x1xf32> to vector<256x512xf32>
    %ge3A_581 = arith.cmpf oge, %dot_general3A_576, %ge3A_580 : vector<256x512xf32>
    %convert_element_type3A_582 = arith.extui %ge3A_581 : vector<256x512xi1> to vector<256x512xi32>
    %convert_element_type3A_583 = arith.sitofp %convert_element_type3A_582 : vector<256x512xi32> to vector<256x512xf32>
    %get3A_584 = arith.constant 16 : index
    %get3A_585 = arith.constant 0 : index
    %get3A_586 = arith.constant 0 : index
    %get3A_587 = vector.load %arg3[%get3A_584, %get3A_585, %get3A_586] : memref<32x512x2xf32, #tpu.memory_space<vmem>>, vector<1x512x2xf32>
    %get3A_588 = vector.shape_cast %get3A_587 : vector<1x512x2xf32> to vector<512x2xf32>
    %dot_general3A_589 = arith.constant dense<0.000000e+00> : vector<256x2xf32>
    %dot_general3A_590 = tpu.matmul %convert_element_type3A_583, %get3A_588, %dot_general3A_589 {dimension_numbers = #tpu.dot_dimension_numbers<[1], [0], [0], [1], [0, 0, 1, 1], [], []>, transpose_lhs_hint = false} : vector<256x512xf32>, vector<512x2xf32>, vector<256x2xf32> -> vector<256x2xf32>
    %slice3A_591 = vector.extract_strided_slice %dot_general3A_590 {offsets = [0, 0], sizes = [256, 1], strides = [1, 1]} : vector<256x2xf32> to vector<256x1xf32>
    %mul3A_592 = arith.constant 1.600000e+01 : f32
    %mul3A_593 = vector.broadcast %mul3A_592 : f32 to vector<256x1xf32>
    %mul3A_594 = arith.mulf %slice3A_591, %mul3A_593 : vector<256x1xf32>
    %slice3A_595 = vector.extract_strided_slice %dot_general3A_590 {offsets = [0, 1], sizes = [256, 1], strides = [1, 1]} : vector<256x2xf32> to vector<256x1xf32>
    %add3A_596 = arith.addf %mul3A_594, %slice3A_595 : vector<256x1xf32>
    %neg3A_597 = arith.constant 0.000000e+00 : f32
    %neg3A_598 = vector.broadcast %neg3A_597 : f32 to vector<256x1xf32>
    %neg3A_599 = arith.subf %neg3A_598, %broadcast_in_dim3A_579 : vector<256x1xf32>
    %convert_element_type3A_600 = arith.fptosi %add3A_596 : vector<256x1xf32> to vector<256x1xi32>
    %convert_element_type3A_601 = arith.fptosi %add3A_596 : vector<256x1xf32> to vector<256x1xi32>
    %add3A_602 = arith.constant 8192 : i32
    %add3A_603 = vector.broadcast %add3A_602 : i32 to vector<256x1xi32>
    %add3A_604 = arith.addi %convert_element_type3A_601, %add3A_603 : vector<256x1xi32>
    %slice3A_605 = vector.extract_strided_slice %get3A_1 {offsets = [0, 1088], sizes = [256, 64], strides = [1, 1]} : vector<256x2048xf32> to vector<256x64xf32>
    %get3A_606 = arith.constant 17 : index
    %get3A_607 = arith.constant 0 : index
    %get3A_608 = arith.constant 0 : index
    %get3A_609 = vector.load %arg2[%get3A_606, %get3A_607, %get3A_608] : memref<32x512x64xf32, #tpu.memory_space<vmem>>, vector<1x512x64xf32>
    %get3A_610 = vector.shape_cast %get3A_609 : vector<1x512x64xf32> to vector<512x64xf32>
    %dot_general3A_611 = arith.constant dense<0.000000e+00> : vector<256x512xf32>
    %dot_general3A_612 = tpu.matmul %slice3A_605, %get3A_610, %dot_general3A_611 {dimension_numbers = #tpu.dot_dimension_numbers<[1], [1], [0], [0], [0, 0, 1, 0], [], []>, transpose_lhs_hint = false} : vector<256x64xf32>, vector<512x64xf32>, vector<256x512xf32> -> vector<256x512xf32>
    %reduce_max3A_613 = arith.constant dense<0xFF800000> : vector<256xf32>
    %reduce_max3A_614 = vector.multi_reduction <maximumf>, %dot_general3A_612, %reduce_max3A_613 [1] : vector<256x512xf32> to vector<256xf32>
    %broadcast_in_dim3A_615 = vector.shape_cast %reduce_max3A_614 : vector<256xf32> to vector<256x1xf32>
    %ge3A_616 = vector.broadcast %broadcast_in_dim3A_615 : vector<256x1xf32> to vector<256x512xf32>
    %ge3A_617 = arith.cmpf oge, %dot_general3A_612, %ge3A_616 : vector<256x512xf32>
    %convert_element_type3A_618 = arith.extui %ge3A_617 : vector<256x512xi1> to vector<256x512xi32>
    %convert_element_type3A_619 = arith.sitofp %convert_element_type3A_618 : vector<256x512xi32> to vector<256x512xf32>
    %get3A_620 = arith.constant 17 : index
    %get3A_621 = arith.constant 0 : index
    %get3A_622 = arith.constant 0 : index
    %get3A_623 = vector.load %arg3[%get3A_620, %get3A_621, %get3A_622] : memref<32x512x2xf32, #tpu.memory_space<vmem>>, vector<1x512x2xf32>
    %get3A_624 = vector.shape_cast %get3A_623 : vector<1x512x2xf32> to vector<512x2xf32>
    %dot_general3A_625 = arith.constant dense<0.000000e+00> : vector<256x2xf32>
    %dot_general3A_626 = tpu.matmul %convert_element_type3A_619, %get3A_624, %dot_general3A_625 {dimension_numbers = #tpu.dot_dimension_numbers<[1], [0], [0], [1], [0, 0, 1, 1], [], []>, transpose_lhs_hint = false} : vector<256x512xf32>, vector<512x2xf32>, vector<256x2xf32> -> vector<256x2xf32>
    %slice3A_627 = vector.extract_strided_slice %dot_general3A_626 {offsets = [0, 0], sizes = [256, 1], strides = [1, 1]} : vector<256x2xf32> to vector<256x1xf32>
    %mul3A_628 = arith.constant 1.600000e+01 : f32
    %mul3A_629 = vector.broadcast %mul3A_628 : f32 to vector<256x1xf32>
    %mul3A_630 = arith.mulf %slice3A_627, %mul3A_629 : vector<256x1xf32>
    %slice3A_631 = vector.extract_strided_slice %dot_general3A_626 {offsets = [0, 1], sizes = [256, 1], strides = [1, 1]} : vector<256x2xf32> to vector<256x1xf32>
    %add3A_632 = arith.addf %mul3A_630, %slice3A_631 : vector<256x1xf32>
    %neg3A_633 = arith.constant 0.000000e+00 : f32
    %neg3A_634 = vector.broadcast %neg3A_633 : f32 to vector<256x1xf32>
    %neg3A_635 = arith.subf %neg3A_634, %broadcast_in_dim3A_615 : vector<256x1xf32>
    %convert_element_type3A_636 = arith.fptosi %add3A_632 : vector<256x1xf32> to vector<256x1xi32>
    %convert_element_type3A_637 = arith.fptosi %add3A_632 : vector<256x1xf32> to vector<256x1xi32>
    %add3A_638 = arith.constant 8704 : i32
    %add3A_639 = vector.broadcast %add3A_638 : i32 to vector<256x1xi32>
    %add3A_640 = arith.addi %convert_element_type3A_637, %add3A_639 : vector<256x1xi32>
    %slice3A_641 = vector.extract_strided_slice %get3A_1 {offsets = [0, 1152], sizes = [256, 64], strides = [1, 1]} : vector<256x2048xf32> to vector<256x64xf32>
    %get3A_642 = arith.constant 18 : index
    %get3A_643 = arith.constant 0 : index
    %get3A_644 = arith.constant 0 : index
    %get3A_645 = vector.load %arg2[%get3A_642, %get3A_643, %get3A_644] : memref<32x512x64xf32, #tpu.memory_space<vmem>>, vector<1x512x64xf32>
    %get3A_646 = vector.shape_cast %get3A_645 : vector<1x512x64xf32> to vector<512x64xf32>
    %dot_general3A_647 = arith.constant dense<0.000000e+00> : vector<256x512xf32>
    %dot_general3A_648 = tpu.matmul %slice3A_641, %get3A_646, %dot_general3A_647 {dimension_numbers = #tpu.dot_dimension_numbers<[1], [1], [0], [0], [0, 0, 1, 0], [], []>, transpose_lhs_hint = false} : vector<256x64xf32>, vector<512x64xf32>, vector<256x512xf32> -> vector<256x512xf32>
    %reduce_max3A_649 = arith.constant dense<0xFF800000> : vector<256xf32>
    %reduce_max3A_650 = vector.multi_reduction <maximumf>, %dot_general3A_648, %reduce_max3A_649 [1] : vector<256x512xf32> to vector<256xf32>
    %broadcast_in_dim3A_651 = vector.shape_cast %reduce_max3A_650 : vector<256xf32> to vector<256x1xf32>
    %ge3A_652 = vector.broadcast %broadcast_in_dim3A_651 : vector<256x1xf32> to vector<256x512xf32>
    %ge3A_653 = arith.cmpf oge, %dot_general3A_648, %ge3A_652 : vector<256x512xf32>
    %convert_element_type3A_654 = arith.extui %ge3A_653 : vector<256x512xi1> to vector<256x512xi32>
    %convert_element_type3A_655 = arith.sitofp %convert_element_type3A_654 : vector<256x512xi32> to vector<256x512xf32>
    %get3A_656 = arith.constant 18 : index
    %get3A_657 = arith.constant 0 : index
    %get3A_658 = arith.constant 0 : index
    %get3A_659 = vector.load %arg3[%get3A_656, %get3A_657, %get3A_658] : memref<32x512x2xf32, #tpu.memory_space<vmem>>, vector<1x512x2xf32>
    %get3A_660 = vector.shape_cast %get3A_659 : vector<1x512x2xf32> to vector<512x2xf32>
    %dot_general3A_661 = arith.constant dense<0.000000e+00> : vector<256x2xf32>
    %dot_general3A_662 = tpu.matmul %convert_element_type3A_655, %get3A_660, %dot_general3A_661 {dimension_numbers = #tpu.dot_dimension_numbers<[1], [0], [0], [1], [0, 0, 1, 1], [], []>, transpose_lhs_hint = false} : vector<256x512xf32>, vector<512x2xf32>, vector<256x2xf32> -> vector<256x2xf32>
    %slice3A_663 = vector.extract_strided_slice %dot_general3A_662 {offsets = [0, 0], sizes = [256, 1], strides = [1, 1]} : vector<256x2xf32> to vector<256x1xf32>
    %mul3A_664 = arith.constant 1.600000e+01 : f32
    %mul3A_665 = vector.broadcast %mul3A_664 : f32 to vector<256x1xf32>
    %mul3A_666 = arith.mulf %slice3A_663, %mul3A_665 : vector<256x1xf32>
    %slice3A_667 = vector.extract_strided_slice %dot_general3A_662 {offsets = [0, 1], sizes = [256, 1], strides = [1, 1]} : vector<256x2xf32> to vector<256x1xf32>
    %add3A_668 = arith.addf %mul3A_666, %slice3A_667 : vector<256x1xf32>
    %neg3A_669 = arith.constant 0.000000e+00 : f32
    %neg3A_670 = vector.broadcast %neg3A_669 : f32 to vector<256x1xf32>
    %neg3A_671 = arith.subf %neg3A_670, %broadcast_in_dim3A_651 : vector<256x1xf32>
    %convert_element_type3A_672 = arith.fptosi %add3A_668 : vector<256x1xf32> to vector<256x1xi32>
    %convert_element_type3A_673 = arith.fptosi %add3A_668 : vector<256x1xf32> to vector<256x1xi32>
    %add3A_674 = arith.constant 9216 : i32
    %add3A_675 = vector.broadcast %add3A_674 : i32 to vector<256x1xi32>
    %add3A_676 = arith.addi %convert_element_type3A_673, %add3A_675 : vector<256x1xi32>
    %slice3A_677 = vector.extract_strided_slice %get3A_1 {offsets = [0, 1216], sizes = [256, 64], strides = [1, 1]} : vector<256x2048xf32> to vector<256x64xf32>
    %get3A_678 = arith.constant 19 : index
    %get3A_679 = arith.constant 0 : index
    %get3A_680 = arith.constant 0 : index
    %get3A_681 = vector.load %arg2[%get3A_678, %get3A_679, %get3A_680] : memref<32x512x64xf32, #tpu.memory_space<vmem>>, vector<1x512x64xf32>
    %get3A_682 = vector.shape_cast %get3A_681 : vector<1x512x64xf32> to vector<512x64xf32>
    %dot_general3A_683 = arith.constant dense<0.000000e+00> : vector<256x512xf32>
    %dot_general3A_684 = tpu.matmul %slice3A_677, %get3A_682, %dot_general3A_683 {dimension_numbers = #tpu.dot_dimension_numbers<[1], [1], [0], [0], [0, 0, 1, 0], [], []>, transpose_lhs_hint = false} : vector<256x64xf32>, vector<512x64xf32>, vector<256x512xf32> -> vector<256x512xf32>
    %reduce_max3A_685 = arith.constant dense<0xFF800000> : vector<256xf32>
    %reduce_max3A_686 = vector.multi_reduction <maximumf>, %dot_general3A_684, %reduce_max3A_685 [1] : vector<256x512xf32> to vector<256xf32>
    %broadcast_in_dim3A_687 = vector.shape_cast %reduce_max3A_686 : vector<256xf32> to vector<256x1xf32>
    %ge3A_688 = vector.broadcast %broadcast_in_dim3A_687 : vector<256x1xf32> to vector<256x512xf32>
    %ge3A_689 = arith.cmpf oge, %dot_general3A_684, %ge3A_688 : vector<256x512xf32>
    %convert_element_type3A_690 = arith.extui %ge3A_689 : vector<256x512xi1> to vector<256x512xi32>
    %convert_element_type3A_691 = arith.sitofp %convert_element_type3A_690 : vector<256x512xi32> to vector<256x512xf32>
    %get3A_692 = arith.constant 19 : index
    %get3A_693 = arith.constant 0 : index
    %get3A_694 = arith.constant 0 : index
    %get3A_695 = vector.load %arg3[%get3A_692, %get3A_693, %get3A_694] : memref<32x512x2xf32, #tpu.memory_space<vmem>>, vector<1x512x2xf32>
    %get3A_696 = vector.shape_cast %get3A_695 : vector<1x512x2xf32> to vector<512x2xf32>
    %dot_general3A_697 = arith.constant dense<0.000000e+00> : vector<256x2xf32>
    %dot_general3A_698 = tpu.matmul %convert_element_type3A_691, %get3A_696, %dot_general3A_697 {dimension_numbers = #tpu.dot_dimension_numbers<[1], [0], [0], [1], [0, 0, 1, 1], [], []>, transpose_lhs_hint = false} : vector<256x512xf32>, vector<512x2xf32>, vector<256x2xf32> -> vector<256x2xf32>
    %slice3A_699 = vector.extract_strided_slice %dot_general3A_698 {offsets = [0, 0], sizes = [256, 1], strides = [1, 1]} : vector<256x2xf32> to vector<256x1xf32>
    %mul3A_700 = arith.constant 1.600000e+01 : f32
    %mul3A_701 = vector.broadcast %mul3A_700 : f32 to vector<256x1xf32>
    %mul3A_702 = arith.mulf %slice3A_699, %mul3A_701 : vector<256x1xf32>
    %slice3A_703 = vector.extract_strided_slice %dot_general3A_698 {offsets = [0, 1], sizes = [256, 1], strides = [1, 1]} : vector<256x2xf32> to vector<256x1xf32>
    %add3A_704 = arith.addf %mul3A_702, %slice3A_703 : vector<256x1xf32>
    %neg3A_705 = arith.constant 0.000000e+00 : f32
    %neg3A_706 = vector.broadcast %neg3A_705 : f32 to vector<256x1xf32>
    %neg3A_707 = arith.subf %neg3A_706, %broadcast_in_dim3A_687 : vector<256x1xf32>
    %convert_element_type3A_708 = arith.fptosi %add3A_704 : vector<256x1xf32> to vector<256x1xi32>
    %convert_element_type3A_709 = arith.fptosi %add3A_704 : vector<256x1xf32> to vector<256x1xi32>
    %add3A_710 = arith.constant 9728 : i32
    %add3A_711 = vector.broadcast %add3A_710 : i32 to vector<256x1xi32>
    %add3A_712 = arith.addi %convert_element_type3A_709, %add3A_711 : vector<256x1xi32>
    %slice3A_713 = vector.extract_strided_slice %get3A_1 {offsets = [0, 1280], sizes = [256, 64], strides = [1, 1]} : vector<256x2048xf32> to vector<256x64xf32>
    %get3A_714 = arith.constant 20 : index
    %get3A_715 = arith.constant 0 : index
    %get3A_716 = arith.constant 0 : index
    %get3A_717 = vector.load %arg2[%get3A_714, %get3A_715, %get3A_716] : memref<32x512x64xf32, #tpu.memory_space<vmem>>, vector<1x512x64xf32>
    %get3A_718 = vector.shape_cast %get3A_717 : vector<1x512x64xf32> to vector<512x64xf32>
    %dot_general3A_719 = arith.constant dense<0.000000e+00> : vector<256x512xf32>
    %dot_general3A_720 = tpu.matmul %slice3A_713, %get3A_718, %dot_general3A_719 {dimension_numbers = #tpu.dot_dimension_numbers<[1], [1], [0], [0], [0, 0, 1, 0], [], []>, transpose_lhs_hint = false} : vector<256x64xf32>, vector<512x64xf32>, vector<256x512xf32> -> vector<256x512xf32>
    %reduce_max3A_721 = arith.constant dense<0xFF800000> : vector<256xf32>
    %reduce_max3A_722 = vector.multi_reduction <maximumf>, %dot_general3A_720, %reduce_max3A_721 [1] : vector<256x512xf32> to vector<256xf32>
    %broadcast_in_dim3A_723 = vector.shape_cast %reduce_max3A_722 : vector<256xf32> to vector<256x1xf32>
    %ge3A_724 = vector.broadcast %broadcast_in_dim3A_723 : vector<256x1xf32> to vector<256x512xf32>
    %ge3A_725 = arith.cmpf oge, %dot_general3A_720, %ge3A_724 : vector<256x512xf32>
    %convert_element_type3A_726 = arith.extui %ge3A_725 : vector<256x512xi1> to vector<256x512xi32>
    %convert_element_type3A_727 = arith.sitofp %convert_element_type3A_726 : vector<256x512xi32> to vector<256x512xf32>
    %get3A_728 = arith.constant 20 : index
    %get3A_729 = arith.constant 0 : index
    %get3A_730 = arith.constant 0 : index
    %get3A_731 = vector.load %arg3[%get3A_728, %get3A_729, %get3A_730] : memref<32x512x2xf32, #tpu.memory_space<vmem>>, vector<1x512x2xf32>
    %get3A_732 = vector.shape_cast %get3A_731 : vector<1x512x2xf32> to vector<512x2xf32>
    %dot_general3A_733 = arith.constant dense<0.000000e+00> : vector<256x2xf32>
    %dot_general3A_734 = tpu.matmul %convert_element_type3A_727, %get3A_732, %dot_general3A_733 {dimension_numbers = #tpu.dot_dimension_numbers<[1], [0], [0], [1], [0, 0, 1, 1], [], []>, transpose_lhs_hint = false} : vector<256x512xf32>, vector<512x2xf32>, vector<256x2xf32> -> vector<256x2xf32>
    %slice3A_735 = vector.extract_strided_slice %dot_general3A_734 {offsets = [0, 0], sizes = [256, 1], strides = [1, 1]} : vector<256x2xf32> to vector<256x1xf32>
    %mul3A_736 = arith.constant 1.600000e+01 : f32
    %mul3A_737 = vector.broadcast %mul3A_736 : f32 to vector<256x1xf32>
    %mul3A_738 = arith.mulf %slice3A_735, %mul3A_737 : vector<256x1xf32>
    %slice3A_739 = vector.extract_strided_slice %dot_general3A_734 {offsets = [0, 1], sizes = [256, 1], strides = [1, 1]} : vector<256x2xf32> to vector<256x1xf32>
    %add3A_740 = arith.addf %mul3A_738, %slice3A_739 : vector<256x1xf32>
    %neg3A_741 = arith.constant 0.000000e+00 : f32
    %neg3A_742 = vector.broadcast %neg3A_741 : f32 to vector<256x1xf32>
    %neg3A_743 = arith.subf %neg3A_742, %broadcast_in_dim3A_723 : vector<256x1xf32>
    %convert_element_type3A_744 = arith.fptosi %add3A_740 : vector<256x1xf32> to vector<256x1xi32>
    %convert_element_type3A_745 = arith.fptosi %add3A_740 : vector<256x1xf32> to vector<256x1xi32>
    %add3A_746 = arith.constant 10240 : i32
    %add3A_747 = vector.broadcast %add3A_746 : i32 to vector<256x1xi32>
    %add3A_748 = arith.addi %convert_element_type3A_745, %add3A_747 : vector<256x1xi32>
    %slice3A_749 = vector.extract_strided_slice %get3A_1 {offsets = [0, 1344], sizes = [256, 64], strides = [1, 1]} : vector<256x2048xf32> to vector<256x64xf32>
    %get3A_750 = arith.constant 21 : index
    %get3A_751 = arith.constant 0 : index
    %get3A_752 = arith.constant 0 : index
    %get3A_753 = vector.load %arg2[%get3A_750, %get3A_751, %get3A_752] : memref<32x512x64xf32, #tpu.memory_space<vmem>>, vector<1x512x64xf32>
    %get3A_754 = vector.shape_cast %get3A_753 : vector<1x512x64xf32> to vector<512x64xf32>
    %dot_general3A_755 = arith.constant dense<0.000000e+00> : vector<256x512xf32>
    %dot_general3A_756 = tpu.matmul %slice3A_749, %get3A_754, %dot_general3A_755 {dimension_numbers = #tpu.dot_dimension_numbers<[1], [1], [0], [0], [0, 0, 1, 0], [], []>, transpose_lhs_hint = false} : vector<256x64xf32>, vector<512x64xf32>, vector<256x512xf32> -> vector<256x512xf32>
    %reduce_max3A_757 = arith.constant dense<0xFF800000> : vector<256xf32>
    %reduce_max3A_758 = vector.multi_reduction <maximumf>, %dot_general3A_756, %reduce_max3A_757 [1] : vector<256x512xf32> to vector<256xf32>
    %broadcast_in_dim3A_759 = vector.shape_cast %reduce_max3A_758 : vector<256xf32> to vector<256x1xf32>
    %ge3A_760 = vector.broadcast %broadcast_in_dim3A_759 : vector<256x1xf32> to vector<256x512xf32>
    %ge3A_761 = arith.cmpf oge, %dot_general3A_756, %ge3A_760 : vector<256x512xf32>
    %convert_element_type3A_762 = arith.extui %ge3A_761 : vector<256x512xi1> to vector<256x512xi32>
    %convert_element_type3A_763 = arith.sitofp %convert_element_type3A_762 : vector<256x512xi32> to vector<256x512xf32>
    %get3A_764 = arith.constant 21 : index
    %get3A_765 = arith.constant 0 : index
    %get3A_766 = arith.constant 0 : index
    %get3A_767 = vector.load %arg3[%get3A_764, %get3A_765, %get3A_766] : memref<32x512x2xf32, #tpu.memory_space<vmem>>, vector<1x512x2xf32>
    %get3A_768 = vector.shape_cast %get3A_767 : vector<1x512x2xf32> to vector<512x2xf32>
    %dot_general3A_769 = arith.constant dense<0.000000e+00> : vector<256x2xf32>
    %dot_general3A_770 = tpu.matmul %convert_element_type3A_763, %get3A_768, %dot_general3A_769 {dimension_numbers = #tpu.dot_dimension_numbers<[1], [0], [0], [1], [0, 0, 1, 1], [], []>, transpose_lhs_hint = false} : vector<256x512xf32>, vector<512x2xf32>, vector<256x2xf32> -> vector<256x2xf32>
    %slice3A_771 = vector.extract_strided_slice %dot_general3A_770 {offsets = [0, 0], sizes = [256, 1], strides = [1, 1]} : vector<256x2xf32> to vector<256x1xf32>
    %mul3A_772 = arith.constant 1.600000e+01 : f32
    %mul3A_773 = vector.broadcast %mul3A_772 : f32 to vector<256x1xf32>
    %mul3A_774 = arith.mulf %slice3A_771, %mul3A_773 : vector<256x1xf32>
    %slice3A_775 = vector.extract_strided_slice %dot_general3A_770 {offsets = [0, 1], sizes = [256, 1], strides = [1, 1]} : vector<256x2xf32> to vector<256x1xf32>
    %add3A_776 = arith.addf %mul3A_774, %slice3A_775 : vector<256x1xf32>
    %neg3A_777 = arith.constant 0.000000e+00 : f32
    %neg3A_778 = vector.broadcast %neg3A_777 : f32 to vector<256x1xf32>
    %neg3A_779 = arith.subf %neg3A_778, %broadcast_in_dim3A_759 : vector<256x1xf32>
    %convert_element_type3A_780 = arith.fptosi %add3A_776 : vector<256x1xf32> to vector<256x1xi32>
    %convert_element_type3A_781 = arith.fptosi %add3A_776 : vector<256x1xf32> to vector<256x1xi32>
    %add3A_782 = arith.constant 10752 : i32
    %add3A_783 = vector.broadcast %add3A_782 : i32 to vector<256x1xi32>
    %add3A_784 = arith.addi %convert_element_type3A_781, %add3A_783 : vector<256x1xi32>
    %slice3A_785 = vector.extract_strided_slice %get3A_1 {offsets = [0, 1408], sizes = [256, 64], strides = [1, 1]} : vector<256x2048xf32> to vector<256x64xf32>
    %get3A_786 = arith.constant 22 : index
    %get3A_787 = arith.constant 0 : index
    %get3A_788 = arith.constant 0 : index
    %get3A_789 = vector.load %arg2[%get3A_786, %get3A_787, %get3A_788] : memref<32x512x64xf32, #tpu.memory_space<vmem>>, vector<1x512x64xf32>
    %get3A_790 = vector.shape_cast %get3A_789 : vector<1x512x64xf32> to vector<512x64xf32>
    %dot_general3A_791 = arith.constant dense<0.000000e+00> : vector<256x512xf32>
    %dot_general3A_792 = tpu.matmul %slice3A_785, %get3A_790, %dot_general3A_791 {dimension_numbers = #tpu.dot_dimension_numbers<[1], [1], [0], [0], [0, 0, 1, 0], [], []>, transpose_lhs_hint = false} : vector<256x64xf32>, vector<512x64xf32>, vector<256x512xf32> -> vector<256x512xf32>
    %reduce_max3A_793 = arith.constant dense<0xFF800000> : vector<256xf32>
    %reduce_max3A_794 = vector.multi_reduction <maximumf>, %dot_general3A_792, %reduce_max3A_793 [1] : vector<256x512xf32> to vector<256xf32>
    %broadcast_in_dim3A_795 = vector.shape_cast %reduce_max3A_794 : vector<256xf32> to vector<256x1xf32>
    %ge3A_796 = vector.broadcast %broadcast_in_dim3A_795 : vector<256x1xf32> to vector<256x512xf32>
    %ge3A_797 = arith.cmpf oge, %dot_general3A_792, %ge3A_796 : vector<256x512xf32>
    %convert_element_type3A_798 = arith.extui %ge3A_797 : vector<256x512xi1> to vector<256x512xi32>
    %convert_element_type3A_799 = arith.sitofp %convert_element_type3A_798 : vector<256x512xi32> to vector<256x512xf32>
    %get3A_800 = arith.constant 22 : index
    %get3A_801 = arith.constant 0 : index
    %get3A_802 = arith.constant 0 : index
    %get3A_803 = vector.load %arg3[%get3A_800, %get3A_801, %get3A_802] : memref<32x512x2xf32, #tpu.memory_space<vmem>>, vector<1x512x2xf32>
    %get3A_804 = vector.shape_cast %get3A_803 : vector<1x512x2xf32> to vector<512x2xf32>
    %dot_general3A_805 = arith.constant dense<0.000000e+00> : vector<256x2xf32>
    %dot_general3A_806 = tpu.matmul %convert_element_type3A_799, %get3A_804, %dot_general3A_805 {dimension_numbers = #tpu.dot_dimension_numbers<[1], [0], [0], [1], [0, 0, 1, 1], [], []>, transpose_lhs_hint = false} : vector<256x512xf32>, vector<512x2xf32>, vector<256x2xf32> -> vector<256x2xf32>
    %slice3A_807 = vector.extract_strided_slice %dot_general3A_806 {offsets = [0, 0], sizes = [256, 1], strides = [1, 1]} : vector<256x2xf32> to vector<256x1xf32>
    %mul3A_808 = arith.constant 1.600000e+01 : f32
    %mul3A_809 = vector.broadcast %mul3A_808 : f32 to vector<256x1xf32>
    %mul3A_810 = arith.mulf %slice3A_807, %mul3A_809 : vector<256x1xf32>
    %slice3A_811 = vector.extract_strided_slice %dot_general3A_806 {offsets = [0, 1], sizes = [256, 1], strides = [1, 1]} : vector<256x2xf32> to vector<256x1xf32>
    %add3A_812 = arith.addf %mul3A_810, %slice3A_811 : vector<256x1xf32>
    %neg3A_813 = arith.constant 0.000000e+00 : f32
    %neg3A_814 = vector.broadcast %neg3A_813 : f32 to vector<256x1xf32>
    %neg3A_815 = arith.subf %neg3A_814, %broadcast_in_dim3A_795 : vector<256x1xf32>
    %convert_element_type3A_816 = arith.fptosi %add3A_812 : vector<256x1xf32> to vector<256x1xi32>
    %convert_element_type3A_817 = arith.fptosi %add3A_812 : vector<256x1xf32> to vector<256x1xi32>
    %add3A_818 = arith.constant 11264 : i32
    %add3A_819 = vector.broadcast %add3A_818 : i32 to vector<256x1xi32>
    %add3A_820 = arith.addi %convert_element_type3A_817, %add3A_819 : vector<256x1xi32>
    %slice3A_821 = vector.extract_strided_slice %get3A_1 {offsets = [0, 1472], sizes = [256, 64], strides = [1, 1]} : vector<256x2048xf32> to vector<256x64xf32>
    %get3A_822 = arith.constant 23 : index
    %get3A_823 = arith.constant 0 : index
    %get3A_824 = arith.constant 0 : index
    %get3A_825 = vector.load %arg2[%get3A_822, %get3A_823, %get3A_824] : memref<32x512x64xf32, #tpu.memory_space<vmem>>, vector<1x512x64xf32>
    %get3A_826 = vector.shape_cast %get3A_825 : vector<1x512x64xf32> to vector<512x64xf32>
    %dot_general3A_827 = arith.constant dense<0.000000e+00> : vector<256x512xf32>
    %dot_general3A_828 = tpu.matmul %slice3A_821, %get3A_826, %dot_general3A_827 {dimension_numbers = #tpu.dot_dimension_numbers<[1], [1], [0], [0], [0, 0, 1, 0], [], []>, transpose_lhs_hint = false} : vector<256x64xf32>, vector<512x64xf32>, vector<256x512xf32> -> vector<256x512xf32>
    %reduce_max3A_829 = arith.constant dense<0xFF800000> : vector<256xf32>
    %reduce_max3A_830 = vector.multi_reduction <maximumf>, %dot_general3A_828, %reduce_max3A_829 [1] : vector<256x512xf32> to vector<256xf32>
    %broadcast_in_dim3A_831 = vector.shape_cast %reduce_max3A_830 : vector<256xf32> to vector<256x1xf32>
    %ge3A_832 = vector.broadcast %broadcast_in_dim3A_831 : vector<256x1xf32> to vector<256x512xf32>
    %ge3A_833 = arith.cmpf oge, %dot_general3A_828, %ge3A_832 : vector<256x512xf32>
    %convert_element_type3A_834 = arith.extui %ge3A_833 : vector<256x512xi1> to vector<256x512xi32>
    %convert_element_type3A_835 = arith.sitofp %convert_element_type3A_834 : vector<256x512xi32> to vector<256x512xf32>
    %get3A_836 = arith.constant 23 : index
    %get3A_837 = arith.constant 0 : index
    %get3A_838 = arith.constant 0 : index
    %get3A_839 = vector.load %arg3[%get3A_836, %get3A_837, %get3A_838] : memref<32x512x2xf32, #tpu.memory_space<vmem>>, vector<1x512x2xf32>
    %get3A_840 = vector.shape_cast %get3A_839 : vector<1x512x2xf32> to vector<512x2xf32>
    %dot_general3A_841 = arith.constant dense<0.000000e+00> : vector<256x2xf32>
    %dot_general3A_842 = tpu.matmul %convert_element_type3A_835, %get3A_840, %dot_general3A_841 {dimension_numbers = #tpu.dot_dimension_numbers<[1], [0], [0], [1], [0, 0, 1, 1], [], []>, transpose_lhs_hint = false} : vector<256x512xf32>, vector<512x2xf32>, vector<256x2xf32> -> vector<256x2xf32>
    %slice3A_843 = vector.extract_strided_slice %dot_general3A_842 {offsets = [0, 0], sizes = [256, 1], strides = [1, 1]} : vector<256x2xf32> to vector<256x1xf32>
    %mul3A_844 = arith.constant 1.600000e+01 : f32
    %mul3A_845 = vector.broadcast %mul3A_844 : f32 to vector<256x1xf32>
    %mul3A_846 = arith.mulf %slice3A_843, %mul3A_845 : vector<256x1xf32>
    %slice3A_847 = vector.extract_strided_slice %dot_general3A_842 {offsets = [0, 1], sizes = [256, 1], strides = [1, 1]} : vector<256x2xf32> to vector<256x1xf32>
    %add3A_848 = arith.addf %mul3A_846, %slice3A_847 : vector<256x1xf32>
    %neg3A_849 = arith.constant 0.000000e+00 : f32
    %neg3A_850 = vector.broadcast %neg3A_849 : f32 to vector<256x1xf32>
    %neg3A_851 = arith.subf %neg3A_850, %broadcast_in_dim3A_831 : vector<256x1xf32>
    %convert_element_type3A_852 = arith.fptosi %add3A_848 : vector<256x1xf32> to vector<256x1xi32>
    %convert_element_type3A_853 = arith.fptosi %add3A_848 : vector<256x1xf32> to vector<256x1xi32>
    %add3A_854 = arith.constant 11776 : i32
    %add3A_855 = vector.broadcast %add3A_854 : i32 to vector<256x1xi32>
    %add3A_856 = arith.addi %convert_element_type3A_853, %add3A_855 : vector<256x1xi32>
    %slice3A_857 = vector.extract_strided_slice %get3A_1 {offsets = [0, 1536], sizes = [256, 64], strides = [1, 1]} : vector<256x2048xf32> to vector<256x64xf32>
    %get3A_858 = arith.constant 24 : index
    %get3A_859 = arith.constant 0 : index
    %get3A_860 = arith.constant 0 : index
    %get3A_861 = vector.load %arg2[%get3A_858, %get3A_859, %get3A_860] : memref<32x512x64xf32, #tpu.memory_space<vmem>>, vector<1x512x64xf32>
    %get3A_862 = vector.shape_cast %get3A_861 : vector<1x512x64xf32> to vector<512x64xf32>
    %dot_general3A_863 = arith.constant dense<0.000000e+00> : vector<256x512xf32>
    %dot_general3A_864 = tpu.matmul %slice3A_857, %get3A_862, %dot_general3A_863 {dimension_numbers = #tpu.dot_dimension_numbers<[1], [1], [0], [0], [0, 0, 1, 0], [], []>, transpose_lhs_hint = false} : vector<256x64xf32>, vector<512x64xf32>, vector<256x512xf32> -> vector<256x512xf32>
    %reduce_max3A_865 = arith.constant dense<0xFF800000> : vector<256xf32>
    %reduce_max3A_866 = vector.multi_reduction <maximumf>, %dot_general3A_864, %reduce_max3A_865 [1] : vector<256x512xf32> to vector<256xf32>
    %broadcast_in_dim3A_867 = vector.shape_cast %reduce_max3A_866 : vector<256xf32> to vector<256x1xf32>
    %ge3A_868 = vector.broadcast %broadcast_in_dim3A_867 : vector<256x1xf32> to vector<256x512xf32>
    %ge3A_869 = arith.cmpf oge, %dot_general3A_864, %ge3A_868 : vector<256x512xf32>
    %convert_element_type3A_870 = arith.extui %ge3A_869 : vector<256x512xi1> to vector<256x512xi32>
    %convert_element_type3A_871 = arith.sitofp %convert_element_type3A_870 : vector<256x512xi32> to vector<256x512xf32>
    %get3A_872 = arith.constant 24 : index
    %get3A_873 = arith.constant 0 : index
    %get3A_874 = arith.constant 0 : index
    %get3A_875 = vector.load %arg3[%get3A_872, %get3A_873, %get3A_874] : memref<32x512x2xf32, #tpu.memory_space<vmem>>, vector<1x512x2xf32>
    %get3A_876 = vector.shape_cast %get3A_875 : vector<1x512x2xf32> to vector<512x2xf32>
    %dot_general3A_877 = arith.constant dense<0.000000e+00> : vector<256x2xf32>
    %dot_general3A_878 = tpu.matmul %convert_element_type3A_871, %get3A_876, %dot_general3A_877 {dimension_numbers = #tpu.dot_dimension_numbers<[1], [0], [0], [1], [0, 0, 1, 1], [], []>, transpose_lhs_hint = false} : vector<256x512xf32>, vector<512x2xf32>, vector<256x2xf32> -> vector<256x2xf32>
    %slice3A_879 = vector.extract_strided_slice %dot_general3A_878 {offsets = [0, 0], sizes = [256, 1], strides = [1, 1]} : vector<256x2xf32> to vector<256x1xf32>
    %mul3A_880 = arith.constant 1.600000e+01 : f32
    %mul3A_881 = vector.broadcast %mul3A_880 : f32 to vector<256x1xf32>
    %mul3A_882 = arith.mulf %slice3A_879, %mul3A_881 : vector<256x1xf32>
    %slice3A_883 = vector.extract_strided_slice %dot_general3A_878 {offsets = [0, 1], sizes = [256, 1], strides = [1, 1]} : vector<256x2xf32> to vector<256x1xf32>
    %add3A_884 = arith.addf %mul3A_882, %slice3A_883 : vector<256x1xf32>
    %neg3A_885 = arith.constant 0.000000e+00 : f32
    %neg3A_886 = vector.broadcast %neg3A_885 : f32 to vector<256x1xf32>
    %neg3A_887 = arith.subf %neg3A_886, %broadcast_in_dim3A_867 : vector<256x1xf32>
    %convert_element_type3A_888 = arith.fptosi %add3A_884 : vector<256x1xf32> to vector<256x1xi32>
    %convert_element_type3A_889 = arith.fptosi %add3A_884 : vector<256x1xf32> to vector<256x1xi32>
    %add3A_890 = arith.constant 12288 : i32
    %add3A_891 = vector.broadcast %add3A_890 : i32 to vector<256x1xi32>
    %add3A_892 = arith.addi %convert_element_type3A_889, %add3A_891 : vector<256x1xi32>
    %slice3A_893 = vector.extract_strided_slice %get3A_1 {offsets = [0, 1600], sizes = [256, 64], strides = [1, 1]} : vector<256x2048xf32> to vector<256x64xf32>
    %get3A_894 = arith.constant 25 : index
    %get3A_895 = arith.constant 0 : index
    %get3A_896 = arith.constant 0 : index
    %get3A_897 = vector.load %arg2[%get3A_894, %get3A_895, %get3A_896] : memref<32x512x64xf32, #tpu.memory_space<vmem>>, vector<1x512x64xf32>
    %get3A_898 = vector.shape_cast %get3A_897 : vector<1x512x64xf32> to vector<512x64xf32>
    %dot_general3A_899 = arith.constant dense<0.000000e+00> : vector<256x512xf32>
    %dot_general3A_900 = tpu.matmul %slice3A_893, %get3A_898, %dot_general3A_899 {dimension_numbers = #tpu.dot_dimension_numbers<[1], [1], [0], [0], [0, 0, 1, 0], [], []>, transpose_lhs_hint = false} : vector<256x64xf32>, vector<512x64xf32>, vector<256x512xf32> -> vector<256x512xf32>
    %reduce_max3A_901 = arith.constant dense<0xFF800000> : vector<256xf32>
    %reduce_max3A_902 = vector.multi_reduction <maximumf>, %dot_general3A_900, %reduce_max3A_901 [1] : vector<256x512xf32> to vector<256xf32>
    %broadcast_in_dim3A_903 = vector.shape_cast %reduce_max3A_902 : vector<256xf32> to vector<256x1xf32>
    %ge3A_904 = vector.broadcast %broadcast_in_dim3A_903 : vector<256x1xf32> to vector<256x512xf32>
    %ge3A_905 = arith.cmpf oge, %dot_general3A_900, %ge3A_904 : vector<256x512xf32>
    %convert_element_type3A_906 = arith.extui %ge3A_905 : vector<256x512xi1> to vector<256x512xi32>
    %convert_element_type3A_907 = arith.sitofp %convert_element_type3A_906 : vector<256x512xi32> to vector<256x512xf32>
    %get3A_908 = arith.constant 25 : index
    %get3A_909 = arith.constant 0 : index
    %get3A_910 = arith.constant 0 : index
    %get3A_911 = vector.load %arg3[%get3A_908, %get3A_909, %get3A_910] : memref<32x512x2xf32, #tpu.memory_space<vmem>>, vector<1x512x2xf32>
    %get3A_912 = vector.shape_cast %get3A_911 : vector<1x512x2xf32> to vector<512x2xf32>
    %dot_general3A_913 = arith.constant dense<0.000000e+00> : vector<256x2xf32>
    %dot_general3A_914 = tpu.matmul %convert_element_type3A_907, %get3A_912, %dot_general3A_913 {dimension_numbers = #tpu.dot_dimension_numbers<[1], [0], [0], [1], [0, 0, 1, 1], [], []>, transpose_lhs_hint = false} : vector<256x512xf32>, vector<512x2xf32>, vector<256x2xf32> -> vector<256x2xf32>
    %slice3A_915 = vector.extract_strided_slice %dot_general3A_914 {offsets = [0, 0], sizes = [256, 1], strides = [1, 1]} : vector<256x2xf32> to vector<256x1xf32>
    %mul3A_916 = arith.constant 1.600000e+01 : f32
    %mul3A_917 = vector.broadcast %mul3A_916 : f32 to vector<256x1xf32>
    %mul3A_918 = arith.mulf %slice3A_915, %mul3A_917 : vector<256x1xf32>
    %slice3A_919 = vector.extract_strided_slice %dot_general3A_914 {offsets = [0, 1], sizes = [256, 1], strides = [1, 1]} : vector<256x2xf32> to vector<256x1xf32>
    %add3A_920 = arith.addf %mul3A_918, %slice3A_919 : vector<256x1xf32>
    %neg3A_921 = arith.constant 0.000000e+00 : f32
    %neg3A_922 = vector.broadcast %neg3A_921 : f32 to vector<256x1xf32>
    %neg3A_923 = arith.subf %neg3A_922, %broadcast_in_dim3A_903 : vector<256x1xf32>
    %convert_element_type3A_924 = arith.fptosi %add3A_920 : vector<256x1xf32> to vector<256x1xi32>
    %convert_element_type3A_925 = arith.fptosi %add3A_920 : vector<256x1xf32> to vector<256x1xi32>
    %add3A_926 = arith.constant 12800 : i32
    %add3A_927 = vector.broadcast %add3A_926 : i32 to vector<256x1xi32>
    %add3A_928 = arith.addi %convert_element_type3A_925, %add3A_927 : vector<256x1xi32>
    %slice3A_929 = vector.extract_strided_slice %get3A_1 {offsets = [0, 1664], sizes = [256, 64], strides = [1, 1]} : vector<256x2048xf32> to vector<256x64xf32>
    %get3A_930 = arith.constant 26 : index
    %get3A_931 = arith.constant 0 : index
    %get3A_932 = arith.constant 0 : index
    %get3A_933 = vector.load %arg2[%get3A_930, %get3A_931, %get3A_932] : memref<32x512x64xf32, #tpu.memory_space<vmem>>, vector<1x512x64xf32>
    %get3A_934 = vector.shape_cast %get3A_933 : vector<1x512x64xf32> to vector<512x64xf32>
    %dot_general3A_935 = arith.constant dense<0.000000e+00> : vector<256x512xf32>
    %dot_general3A_936 = tpu.matmul %slice3A_929, %get3A_934, %dot_general3A_935 {dimension_numbers = #tpu.dot_dimension_numbers<[1], [1], [0], [0], [0, 0, 1, 0], [], []>, transpose_lhs_hint = false} : vector<256x64xf32>, vector<512x64xf32>, vector<256x512xf32> -> vector<256x512xf32>
    %reduce_max3A_937 = arith.constant dense<0xFF800000> : vector<256xf32>
    %reduce_max3A_938 = vector.multi_reduction <maximumf>, %dot_general3A_936, %reduce_max3A_937 [1] : vector<256x512xf32> to vector<256xf32>
    %broadcast_in_dim3A_939 = vector.shape_cast %reduce_max3A_938 : vector<256xf32> to vector<256x1xf32>
    %ge3A_940 = vector.broadcast %broadcast_in_dim3A_939 : vector<256x1xf32> to vector<256x512xf32>
    %ge3A_941 = arith.cmpf oge, %dot_general3A_936, %ge3A_940 : vector<256x512xf32>
    %convert_element_type3A_942 = arith.extui %ge3A_941 : vector<256x512xi1> to vector<256x512xi32>
    %convert_element_type3A_943 = arith.sitofp %convert_element_type3A_942 : vector<256x512xi32> to vector<256x512xf32>
    %get3A_944 = arith.constant 26 : index
    %get3A_945 = arith.constant 0 : index
    %get3A_946 = arith.constant 0 : index
    %get3A_947 = vector.load %arg3[%get3A_944, %get3A_945, %get3A_946] : memref<32x512x2xf32, #tpu.memory_space<vmem>>, vector<1x512x2xf32>
    %get3A_948 = vector.shape_cast %get3A_947 : vector<1x512x2xf32> to vector<512x2xf32>
    %dot_general3A_949 = arith.constant dense<0.000000e+00> : vector<256x2xf32>
    %dot_general3A_950 = tpu.matmul %convert_element_type3A_943, %get3A_948, %dot_general3A_949 {dimension_numbers = #tpu.dot_dimension_numbers<[1], [0], [0], [1], [0, 0, 1, 1], [], []>, transpose_lhs_hint = false} : vector<256x512xf32>, vector<512x2xf32>, vector<256x2xf32> -> vector<256x2xf32>
    %slice3A_951 = vector.extract_strided_slice %dot_general3A_950 {offsets = [0, 0], sizes = [256, 1], strides = [1, 1]} : vector<256x2xf32> to vector<256x1xf32>
    %mul3A_952 = arith.constant 1.600000e+01 : f32
    %mul3A_953 = vector.broadcast %mul3A_952 : f32 to vector<256x1xf32>
    %mul3A_954 = arith.mulf %slice3A_951, %mul3A_953 : vector<256x1xf32>
    %slice3A_955 = vector.extract_strided_slice %dot_general3A_950 {offsets = [0, 1], sizes = [256, 1], strides = [1, 1]} : vector<256x2xf32> to vector<256x1xf32>
    %add3A_956 = arith.addf %mul3A_954, %slice3A_955 : vector<256x1xf32>
    %neg3A_957 = arith.constant 0.000000e+00 : f32
    %neg3A_958 = vector.broadcast %neg3A_957 : f32 to vector<256x1xf32>
    %neg3A_959 = arith.subf %neg3A_958, %broadcast_in_dim3A_939 : vector<256x1xf32>
    %convert_element_type3A_960 = arith.fptosi %add3A_956 : vector<256x1xf32> to vector<256x1xi32>
    %convert_element_type3A_961 = arith.fptosi %add3A_956 : vector<256x1xf32> to vector<256x1xi32>
    %add3A_962 = arith.constant 13312 : i32
    %add3A_963 = vector.broadcast %add3A_962 : i32 to vector<256x1xi32>
    %add3A_964 = arith.addi %convert_element_type3A_961, %add3A_963 : vector<256x1xi32>
    %slice3A_965 = vector.extract_strided_slice %get3A_1 {offsets = [0, 1728], sizes = [256, 64], strides = [1, 1]} : vector<256x2048xf32> to vector<256x64xf32>
    %get3A_966 = arith.constant 27 : index
    %get3A_967 = arith.constant 0 : index
    %get3A_968 = arith.constant 0 : index
    %get3A_969 = vector.load %arg2[%get3A_966, %get3A_967, %get3A_968] : memref<32x512x64xf32, #tpu.memory_space<vmem>>, vector<1x512x64xf32>
    %get3A_970 = vector.shape_cast %get3A_969 : vector<1x512x64xf32> to vector<512x64xf32>
    %dot_general3A_971 = arith.constant dense<0.000000e+00> : vector<256x512xf32>
    %dot_general3A_972 = tpu.matmul %slice3A_965, %get3A_970, %dot_general3A_971 {dimension_numbers = #tpu.dot_dimension_numbers<[1], [1], [0], [0], [0, 0, 1, 0], [], []>, transpose_lhs_hint = false} : vector<256x64xf32>, vector<512x64xf32>, vector<256x512xf32> -> vector<256x512xf32>
    %reduce_max3A_973 = arith.constant dense<0xFF800000> : vector<256xf32>
    %reduce_max3A_974 = vector.multi_reduction <maximumf>, %dot_general3A_972, %reduce_max3A_973 [1] : vector<256x512xf32> to vector<256xf32>
    %broadcast_in_dim3A_975 = vector.shape_cast %reduce_max3A_974 : vector<256xf32> to vector<256x1xf32>
    %ge3A_976 = vector.broadcast %broadcast_in_dim3A_975 : vector<256x1xf32> to vector<256x512xf32>
    %ge3A_977 = arith.cmpf oge, %dot_general3A_972, %ge3A_976 : vector<256x512xf32>
    %convert_element_type3A_978 = arith.extui %ge3A_977 : vector<256x512xi1> to vector<256x512xi32>
    %convert_element_type3A_979 = arith.sitofp %convert_element_type3A_978 : vector<256x512xi32> to vector<256x512xf32>
    %get3A_980 = arith.constant 27 : index
    %get3A_981 = arith.constant 0 : index
    %get3A_982 = arith.constant 0 : index
    %get3A_983 = vector.load %arg3[%get3A_980, %get3A_981, %get3A_982] : memref<32x512x2xf32, #tpu.memory_space<vmem>>, vector<1x512x2xf32>
    %get3A_984 = vector.shape_cast %get3A_983 : vector<1x512x2xf32> to vector<512x2xf32>
    %dot_general3A_985 = arith.constant dense<0.000000e+00> : vector<256x2xf32>
    %dot_general3A_986 = tpu.matmul %convert_element_type3A_979, %get3A_984, %dot_general3A_985 {dimension_numbers = #tpu.dot_dimension_numbers<[1], [0], [0], [1], [0, 0, 1, 1], [], []>, transpose_lhs_hint = false} : vector<256x512xf32>, vector<512x2xf32>, vector<256x2xf32> -> vector<256x2xf32>
    %slice3A_987 = vector.extract_strided_slice %dot_general3A_986 {offsets = [0, 0], sizes = [256, 1], strides = [1, 1]} : vector<256x2xf32> to vector<256x1xf32>
    %mul3A_988 = arith.constant 1.600000e+01 : f32
    %mul3A_989 = vector.broadcast %mul3A_988 : f32 to vector<256x1xf32>
    %mul3A_990 = arith.mulf %slice3A_987, %mul3A_989 : vector<256x1xf32>
    %slice3A_991 = vector.extract_strided_slice %dot_general3A_986 {offsets = [0, 1], sizes = [256, 1], strides = [1, 1]} : vector<256x2xf32> to vector<256x1xf32>
    %add3A_992 = arith.addf %mul3A_990, %slice3A_991 : vector<256x1xf32>
    %neg3A_993 = arith.constant 0.000000e+00 : f32
    %neg3A_994 = vector.broadcast %neg3A_993 : f32 to vector<256x1xf32>
    %neg3A_995 = arith.subf %neg3A_994, %broadcast_in_dim3A_975 : vector<256x1xf32>
    %convert_element_type3A_996 = arith.fptosi %add3A_992 : vector<256x1xf32> to vector<256x1xi32>
    %convert_element_type3A_997 = arith.fptosi %add3A_992 : vector<256x1xf32> to vector<256x1xi32>
    %add3A_998 = arith.constant 13824 : i32
    %add3A_999 = vector.broadcast %add3A_998 : i32 to vector<256x1xi32>
    %add3A_1000 = arith.addi %convert_element_type3A_997, %add3A_999 : vector<256x1xi32>
    %slice3A_1001 = vector.extract_strided_slice %get3A_1 {offsets = [0, 1792], sizes = [256, 64], strides = [1, 1]} : vector<256x2048xf32> to vector<256x64xf32>
    %get3A_1002 = arith.constant 28 : index
    %get3A_1003 = arith.constant 0 : index
    %get3A_1004 = arith.constant 0 : index
    %get3A_1005 = vector.load %arg2[%get3A_1002, %get3A_1003, %get3A_1004] : memref<32x512x64xf32, #tpu.memory_space<vmem>>, vector<1x512x64xf32>
    %get3A_1006 = vector.shape_cast %get3A_1005 : vector<1x512x64xf32> to vector<512x64xf32>
    %dot_general3A_1007 = arith.constant dense<0.000000e+00> : vector<256x512xf32>
    %dot_general3A_1008 = tpu.matmul %slice3A_1001, %get3A_1006, %dot_general3A_1007 {dimension_numbers = #tpu.dot_dimension_numbers<[1], [1], [0], [0], [0, 0, 1, 0], [], []>, transpose_lhs_hint = false} : vector<256x64xf32>, vector<512x64xf32>, vector<256x512xf32> -> vector<256x512xf32>
    %reduce_max3A_1009 = arith.constant dense<0xFF800000> : vector<256xf32>
    %reduce_max3A_1010 = vector.multi_reduction <maximumf>, %dot_general3A_1008, %reduce_max3A_1009 [1] : vector<256x512xf32> to vector<256xf32>
    %broadcast_in_dim3A_1011 = vector.shape_cast %reduce_max3A_1010 : vector<256xf32> to vector<256x1xf32>
    %ge3A_1012 = vector.broadcast %broadcast_in_dim3A_1011 : vector<256x1xf32> to vector<256x512xf32>
    %ge3A_1013 = arith.cmpf oge, %dot_general3A_1008, %ge3A_1012 : vector<256x512xf32>
    %convert_element_type3A_1014 = arith.extui %ge3A_1013 : vector<256x512xi1> to vector<256x512xi32>
    %convert_element_type3A_1015 = arith.sitofp %convert_element_type3A_1014 : vector<256x512xi32> to vector<256x512xf32>
    %get3A_1016 = arith.constant 28 : index
    %get3A_1017 = arith.constant 0 : index
    %get3A_1018 = arith.constant 0 : index
    %get3A_1019 = vector.load %arg3[%get3A_1016, %get3A_1017, %get3A_1018] : memref<32x512x2xf32, #tpu.memory_space<vmem>>, vector<1x512x2xf32>
    %get3A_1020 = vector.shape_cast %get3A_1019 : vector<1x512x2xf32> to vector<512x2xf32>
    %dot_general3A_1021 = arith.constant dense<0.000000e+00> : vector<256x2xf32>
    %dot_general3A_1022 = tpu.matmul %convert_element_type3A_1015, %get3A_1020, %dot_general3A_1021 {dimension_numbers = #tpu.dot_dimension_numbers<[1], [0], [0], [1], [0, 0, 1, 1], [], []>, transpose_lhs_hint = false} : vector<256x512xf32>, vector<512x2xf32>, vector<256x2xf32> -> vector<256x2xf32>
    %slice3A_1023 = vector.extract_strided_slice %dot_general3A_1022 {offsets = [0, 0], sizes = [256, 1], strides = [1, 1]} : vector<256x2xf32> to vector<256x1xf32>
    %mul3A_1024 = arith.constant 1.600000e+01 : f32
    %mul3A_1025 = vector.broadcast %mul3A_1024 : f32 to vector<256x1xf32>
    %mul3A_1026 = arith.mulf %slice3A_1023, %mul3A_1025 : vector<256x1xf32>
    %slice3A_1027 = vector.extract_strided_slice %dot_general3A_1022 {offsets = [0, 1], sizes = [256, 1], strides = [1, 1]} : vector<256x2xf32> to vector<256x1xf32>
    %add3A_1028 = arith.addf %mul3A_1026, %slice3A_1027 : vector<256x1xf32>
    %neg3A_1029 = arith.constant 0.000000e+00 : f32
    %neg3A_1030 = vector.broadcast %neg3A_1029 : f32 to vector<256x1xf32>
    %neg3A_1031 = arith.subf %neg3A_1030, %broadcast_in_dim3A_1011 : vector<256x1xf32>
    %convert_element_type3A_1032 = arith.fptosi %add3A_1028 : vector<256x1xf32> to vector<256x1xi32>
    %convert_element_type3A_1033 = arith.fptosi %add3A_1028 : vector<256x1xf32> to vector<256x1xi32>
    %add3A_1034 = arith.constant 14336 : i32
    %add3A_1035 = vector.broadcast %add3A_1034 : i32 to vector<256x1xi32>
    %add3A_1036 = arith.addi %convert_element_type3A_1033, %add3A_1035 : vector<256x1xi32>
    %slice3A_1037 = vector.extract_strided_slice %get3A_1 {offsets = [0, 1856], sizes = [256, 64], strides = [1, 1]} : vector<256x2048xf32> to vector<256x64xf32>
    %get3A_1038 = arith.constant 29 : index
    %get3A_1039 = arith.constant 0 : index
    %get3A_1040 = arith.constant 0 : index
    %get3A_1041 = vector.load %arg2[%get3A_1038, %get3A_1039, %get3A_1040] : memref<32x512x64xf32, #tpu.memory_space<vmem>>, vector<1x512x64xf32>
    %get3A_1042 = vector.shape_cast %get3A_1041 : vector<1x512x64xf32> to vector<512x64xf32>
    %dot_general3A_1043 = arith.constant dense<0.000000e+00> : vector<256x512xf32>
    %dot_general3A_1044 = tpu.matmul %slice3A_1037, %get3A_1042, %dot_general3A_1043 {dimension_numbers = #tpu.dot_dimension_numbers<[1], [1], [0], [0], [0, 0, 1, 0], [], []>, transpose_lhs_hint = false} : vector<256x64xf32>, vector<512x64xf32>, vector<256x512xf32> -> vector<256x512xf32>
    %reduce_max3A_1045 = arith.constant dense<0xFF800000> : vector<256xf32>
    %reduce_max3A_1046 = vector.multi_reduction <maximumf>, %dot_general3A_1044, %reduce_max3A_1045 [1] : vector<256x512xf32> to vector<256xf32>
    %broadcast_in_dim3A_1047 = vector.shape_cast %reduce_max3A_1046 : vector<256xf32> to vector<256x1xf32>
    %ge3A_1048 = vector.broadcast %broadcast_in_dim3A_1047 : vector<256x1xf32> to vector<256x512xf32>
    %ge3A_1049 = arith.cmpf oge, %dot_general3A_1044, %ge3A_1048 : vector<256x512xf32>
    %convert_element_type3A_1050 = arith.extui %ge3A_1049 : vector<256x512xi1> to vector<256x512xi32>
    %convert_element_type3A_1051 = arith.sitofp %convert_element_type3A_1050 : vector<256x512xi32> to vector<256x512xf32>
    %get3A_1052 = arith.constant 29 : index
    %get3A_1053 = arith.constant 0 : index
    %get3A_1054 = arith.constant 0 : index
    %get3A_1055 = vector.load %arg3[%get3A_1052, %get3A_1053, %get3A_1054] : memref<32x512x2xf32, #tpu.memory_space<vmem>>, vector<1x512x2xf32>
    %get3A_1056 = vector.shape_cast %get3A_1055 : vector<1x512x2xf32> to vector<512x2xf32>
    %dot_general3A_1057 = arith.constant dense<0.000000e+00> : vector<256x2xf32>
    %dot_general3A_1058 = tpu.matmul %convert_element_type3A_1051, %get3A_1056, %dot_general3A_1057 {dimension_numbers = #tpu.dot_dimension_numbers<[1], [0], [0], [1], [0, 0, 1, 1], [], []>, transpose_lhs_hint = false} : vector<256x512xf32>, vector<512x2xf32>, vector<256x2xf32> -> vector<256x2xf32>
    %slice3A_1059 = vector.extract_strided_slice %dot_general3A_1058 {offsets = [0, 0], sizes = [256, 1], strides = [1, 1]} : vector<256x2xf32> to vector<256x1xf32>
    %mul3A_1060 = arith.constant 1.600000e+01 : f32
    %mul3A_1061 = vector.broadcast %mul3A_1060 : f32 to vector<256x1xf32>
    %mul3A_1062 = arith.mulf %slice3A_1059, %mul3A_1061 : vector<256x1xf32>
    %slice3A_1063 = vector.extract_strided_slice %dot_general3A_1058 {offsets = [0, 1], sizes = [256, 1], strides = [1, 1]} : vector<256x2xf32> to vector<256x1xf32>
    %add3A_1064 = arith.addf %mul3A_1062, %slice3A_1063 : vector<256x1xf32>
    %neg3A_1065 = arith.constant 0.000000e+00 : f32
    %neg3A_1066 = vector.broadcast %neg3A_1065 : f32 to vector<256x1xf32>
    %neg3A_1067 = arith.subf %neg3A_1066, %broadcast_in_dim3A_1047 : vector<256x1xf32>
    %convert_element_type3A_1068 = arith.fptosi %add3A_1064 : vector<256x1xf32> to vector<256x1xi32>
    %convert_element_type3A_1069 = arith.fptosi %add3A_1064 : vector<256x1xf32> to vector<256x1xi32>
    %add3A_1070 = arith.constant 14848 : i32
    %add3A_1071 = vector.broadcast %add3A_1070 : i32 to vector<256x1xi32>
    %add3A_1072 = arith.addi %convert_element_type3A_1069, %add3A_1071 : vector<256x1xi32>
    %slice3A_1073 = vector.extract_strided_slice %get3A_1 {offsets = [0, 1920], sizes = [256, 64], strides = [1, 1]} : vector<256x2048xf32> to vector<256x64xf32>
    %get3A_1074 = arith.constant 30 : index
    %get3A_1075 = arith.constant 0 : index
    %get3A_1076 = arith.constant 0 : index
    %get3A_1077 = vector.load %arg2[%get3A_1074, %get3A_1075, %get3A_1076] : memref<32x512x64xf32, #tpu.memory_space<vmem>>, vector<1x512x64xf32>
    %get3A_1078 = vector.shape_cast %get3A_1077 : vector<1x512x64xf32> to vector<512x64xf32>
    %dot_general3A_1079 = arith.constant dense<0.000000e+00> : vector<256x512xf32>
    %dot_general3A_1080 = tpu.matmul %slice3A_1073, %get3A_1078, %dot_general3A_1079 {dimension_numbers = #tpu.dot_dimension_numbers<[1], [1], [0], [0], [0, 0, 1, 0], [], []>, transpose_lhs_hint = false} : vector<256x64xf32>, vector<512x64xf32>, vector<256x512xf32> -> vector<256x512xf32>
    %reduce_max3A_1081 = arith.constant dense<0xFF800000> : vector<256xf32>
    %reduce_max3A_1082 = vector.multi_reduction <maximumf>, %dot_general3A_1080, %reduce_max3A_1081 [1] : vector<256x512xf32> to vector<256xf32>
    %broadcast_in_dim3A_1083 = vector.shape_cast %reduce_max3A_1082 : vector<256xf32> to vector<256x1xf32>
    %ge3A_1084 = vector.broadcast %broadcast_in_dim3A_1083 : vector<256x1xf32> to vector<256x512xf32>
    %ge3A_1085 = arith.cmpf oge, %dot_general3A_1080, %ge3A_1084 : vector<256x512xf32>
    %convert_element_type3A_1086 = arith.extui %ge3A_1085 : vector<256x512xi1> to vector<256x512xi32>
    %convert_element_type3A_1087 = arith.sitofp %convert_element_type3A_1086 : vector<256x512xi32> to vector<256x512xf32>
    %get3A_1088 = arith.constant 30 : index
    %get3A_1089 = arith.constant 0 : index
    %get3A_1090 = arith.constant 0 : index
    %get3A_1091 = vector.load %arg3[%get3A_1088, %get3A_1089, %get3A_1090] : memref<32x512x2xf32, #tpu.memory_space<vmem>>, vector<1x512x2xf32>
    %get3A_1092 = vector.shape_cast %get3A_1091 : vector<1x512x2xf32> to vector<512x2xf32>
    %dot_general3A_1093 = arith.constant dense<0.000000e+00> : vector<256x2xf32>
    %dot_general3A_1094 = tpu.matmul %convert_element_type3A_1087, %get3A_1092, %dot_general3A_1093 {dimension_numbers = #tpu.dot_dimension_numbers<[1], [0], [0], [1], [0, 0, 1, 1], [], []>, transpose_lhs_hint = false} : vector<256x512xf32>, vector<512x2xf32>, vector<256x2xf32> -> vector<256x2xf32>
    %slice3A_1095 = vector.extract_strided_slice %dot_general3A_1094 {offsets = [0, 0], sizes = [256, 1], strides = [1, 1]} : vector<256x2xf32> to vector<256x1xf32>
    %mul3A_1096 = arith.constant 1.600000e+01 : f32
    %mul3A_1097 = vector.broadcast %mul3A_1096 : f32 to vector<256x1xf32>
    %mul3A_1098 = arith.mulf %slice3A_1095, %mul3A_1097 : vector<256x1xf32>
    %slice3A_1099 = vector.extract_strided_slice %dot_general3A_1094 {offsets = [0, 1], sizes = [256, 1], strides = [1, 1]} : vector<256x2xf32> to vector<256x1xf32>
    %add3A_1100 = arith.addf %mul3A_1098, %slice3A_1099 : vector<256x1xf32>
    %neg3A_1101 = arith.constant 0.000000e+00 : f32
    %neg3A_1102 = vector.broadcast %neg3A_1101 : f32 to vector<256x1xf32>
    %neg3A_1103 = arith.subf %neg3A_1102, %broadcast_in_dim3A_1083 : vector<256x1xf32>
    %convert_element_type3A_1104 = arith.fptosi %add3A_1100 : vector<256x1xf32> to vector<256x1xi32>
    %convert_element_type3A_1105 = arith.fptosi %add3A_1100 : vector<256x1xf32> to vector<256x1xi32>
    %add3A_1106 = arith.constant 15360 : i32
    %add3A_1107 = vector.broadcast %add3A_1106 : i32 to vector<256x1xi32>
    %add3A_1108 = arith.addi %convert_element_type3A_1105, %add3A_1107 : vector<256x1xi32>
    %slice3A_1109 = vector.extract_strided_slice %get3A_1 {offsets = [0, 1984], sizes = [256, 64], strides = [1, 1]} : vector<256x2048xf32> to vector<256x64xf32>
    %get3A_1110 = arith.constant 31 : index
    %get3A_1111 = arith.constant 0 : index
    %get3A_1112 = arith.constant 0 : index
    %get3A_1113 = vector.load %arg2[%get3A_1110, %get3A_1111, %get3A_1112] : memref<32x512x64xf32, #tpu.memory_space<vmem>>, vector<1x512x64xf32>
    %get3A_1114 = vector.shape_cast %get3A_1113 : vector<1x512x64xf32> to vector<512x64xf32>
    %dot_general3A_1115 = arith.constant dense<0.000000e+00> : vector<256x512xf32>
    %dot_general3A_1116 = tpu.matmul %slice3A_1109, %get3A_1114, %dot_general3A_1115 {dimension_numbers = #tpu.dot_dimension_numbers<[1], [1], [0], [0], [0, 0, 1, 0], [], []>, transpose_lhs_hint = false} : vector<256x64xf32>, vector<512x64xf32>, vector<256x512xf32> -> vector<256x512xf32>
    %reduce_max3A_1117 = arith.constant dense<0xFF800000> : vector<256xf32>
    %reduce_max3A_1118 = vector.multi_reduction <maximumf>, %dot_general3A_1116, %reduce_max3A_1117 [1] : vector<256x512xf32> to vector<256xf32>
    %broadcast_in_dim3A_1119 = vector.shape_cast %reduce_max3A_1118 : vector<256xf32> to vector<256x1xf32>
    %ge3A_1120 = vector.broadcast %broadcast_in_dim3A_1119 : vector<256x1xf32> to vector<256x512xf32>
    %ge3A_1121 = arith.cmpf oge, %dot_general3A_1116, %ge3A_1120 : vector<256x512xf32>
    %convert_element_type3A_1122 = arith.extui %ge3A_1121 : vector<256x512xi1> to vector<256x512xi32>
    %convert_element_type3A_1123 = arith.sitofp %convert_element_type3A_1122 : vector<256x512xi32> to vector<256x512xf32>
    %get3A_1124 = arith.constant 31 : index
    %get3A_1125 = arith.constant 0 : index
    %get3A_1126 = arith.constant 0 : index
    %get3A_1127 = vector.load %arg3[%get3A_1124, %get3A_1125, %get3A_1126] : memref<32x512x2xf32, #tpu.memory_space<vmem>>, vector<1x512x2xf32>
    %get3A_1128 = vector.shape_cast %get3A_1127 : vector<1x512x2xf32> to vector<512x2xf32>
    %dot_general3A_1129 = arith.constant dense<0.000000e+00> : vector<256x2xf32>
    %dot_general3A_1130 = tpu.matmul %convert_element_type3A_1123, %get3A_1128, %dot_general3A_1129 {dimension_numbers = #tpu.dot_dimension_numbers<[1], [0], [0], [1], [0, 0, 1, 1], [], []>, transpose_lhs_hint = false} : vector<256x512xf32>, vector<512x2xf32>, vector<256x2xf32> -> vector<256x2xf32>
    %slice3A_1131 = vector.extract_strided_slice %dot_general3A_1130 {offsets = [0, 0], sizes = [256, 1], strides = [1, 1]} : vector<256x2xf32> to vector<256x1xf32>
    %mul3A_1132 = arith.constant 1.600000e+01 : f32
    %mul3A_1133 = vector.broadcast %mul3A_1132 : f32 to vector<256x1xf32>
    %mul3A_1134 = arith.mulf %slice3A_1131, %mul3A_1133 : vector<256x1xf32>
    %slice3A_1135 = vector.extract_strided_slice %dot_general3A_1130 {offsets = [0, 1], sizes = [256, 1], strides = [1, 1]} : vector<256x2xf32> to vector<256x1xf32>
    %add3A_1136 = arith.addf %mul3A_1134, %slice3A_1135 : vector<256x1xf32>
    %neg3A_1137 = arith.constant 0.000000e+00 : f32
    %neg3A_1138 = vector.broadcast %neg3A_1137 : f32 to vector<256x1xf32>
    %neg3A_1139 = arith.subf %neg3A_1138, %broadcast_in_dim3A_1119 : vector<256x1xf32>
    %convert_element_type3A_1140 = arith.fptosi %add3A_1136 : vector<256x1xf32> to vector<256x1xi32>
    %convert_element_type3A_1141 = arith.fptosi %add3A_1136 : vector<256x1xf32> to vector<256x1xi32>
    %add3A_1142 = arith.constant 15872 : i32
    %add3A_1143 = vector.broadcast %add3A_1142 : i32 to vector<256x1xi32>
    %add3A_1144 = arith.addi %convert_element_type3A_1141, %add3A_1143 : vector<256x1xi32>
    %concatenate3A = tpu.concatenate %neg3A_23, %neg3A_59, %neg3A_95, %neg3A_131, %neg3A_167, %neg3A_203, %neg3A_239, %neg3A_275, %neg3A_311, %neg3A_347, %neg3A_383, %neg3A_419, %neg3A_455, %neg3A_491, %neg3A_527, %neg3A_563, %neg3A_599, %neg3A_635, %neg3A_671, %neg3A_707, %neg3A_743, %neg3A_779, %neg3A_815, %neg3A_851, %neg3A_887, %neg3A_923, %neg3A_959, %neg3A_995, %neg3A_1031, %neg3A_1067, %neg3A_1103, %neg3A_1139 in 1 : vector<256x1xf32>, vector<256x1xf32>, vector<256x1xf32>, vector<256x1xf32>, vector<256x1xf32>, vector<256x1xf32>, vector<256x1xf32>, vector<256x1xf32>, vector<256x1xf32>, vector<256x1xf32>, vector<256x1xf32>, vector<256x1xf32>, vector<256x1xf32>, vector<256x1xf32>, vector<256x1xf32>, vector<256x1xf32>, vector<256x1xf32>, vector<256x1xf32>, vector<256x1xf32>, vector<256x1xf32>, vector<256x1xf32>, vector<256x1xf32>, vector<256x1xf32>, vector<256x1xf32>, vector<256x1xf32>, vector<256x1xf32>, vector<256x1xf32>, vector<256x1xf32>, vector<256x1xf32>, vector<256x1xf32>, vector<256x1xf32>, vector<256x1xf32> -> vector<256x32xf32>
    %swap3A = arith.constant 0 : index
    %swap3A_1145 = arith.constant 0 : index
    %swap3A_1146 = vector.load %arg4[%swap3A, %swap3A_1145] : memref<256x32xf32, #tpu.memory_space<vmem>>, vector<256x32xf32>
    tpu.vector_store %arg4[%swap3A, %swap3A_1145], %concatenate3A {strides = array<i32>} : memref<256x32xf32, #tpu.memory_space<vmem>>, vector<256x32xf32>,
    %concatenate3A_1147 = tpu.concatenate %convert_element_type3A_24, %convert_element_type3A_60, %convert_element_type3A_96, %convert_element_type3A_132, %convert_element_type3A_168, %convert_element_type3A_204, %convert_element_type3A_240, %convert_element_type3A_276, %convert_element_type3A_312, %convert_element_type3A_348, %convert_element_type3A_384, %convert_element_type3A_420, %convert_element_type3A_456, %convert_element_type3A_492, %convert_element_type3A_528, %convert_element_type3A_564, %convert_element_type3A_600, %convert_element_type3A_636, %convert_element_type3A_672, %convert_element_type3A_708, %convert_element_type3A_744, %convert_element_type3A_780, %convert_element_type3A_816, %convert_element_type3A_852, %convert_element_type3A_888, %convert_element_type3A_924, %convert_element_type3A_960, %convert_element_type3A_996, %convert_element_type3A_1032, %convert_element_type3A_1068, %convert_element_type3A_1104, %convert_element_type3A_1140 in 1 : vector<256x1xi32>, vector<256x1xi32>, vector<256x1xi32>, vector<256x1xi32>, vector<256x1xi32>, vector<256x1xi32>, vector<256x1xi32>, vector<256x1xi32>, vector<256x1xi32>, vector<256x1xi32>, vector<256x1xi32>, vector<256x1xi32>, vector<256x1xi32>, vector<256x1xi32>, vector<256x1xi32>, vector<256x1xi32>, vector<256x1xi32>, vector<256x1xi32>, vector<256x1xi32>, vector<256x1xi32>, vector<256x1xi32>, vector<256x1xi32>, vector<256x1xi32>, vector<256x1xi32>, vector<256x1xi32>, vector<256x1xi32>, vector<256x1xi32>, vector<256x1xi32>, vector<256x1xi32>, vector<256x1xi32>, vector<256x1xi32>, vector<256x1xi32> -> vector<256x32xi32>
    %swap3A_1148 = arith.constant 0 : index
    %swap3A_1149 = arith.constant 0 : index
    %swap3A_1150 = vector.load %arg5[%swap3A_1148, %swap3A_1149] : memref<256x32xi32, #tpu.memory_space<vmem>>, vector<256x32xi32>
    tpu.vector_store %arg5[%swap3A_1148, %swap3A_1149], %concatenate3A_1147 {strides = array<i32>} : memref<256x32xi32, #tpu.memory_space<vmem>>, vector<256x32xi32>,
    %concatenate3A_1151 = tpu.concatenate %add3A_28, %add3A_64, %add3A_100, %add3A_136, %add3A_172, %add3A_208, %add3A_244, %add3A_280, %add3A_316, %add3A_352, %add3A_388, %add3A_424, %add3A_460, %add3A_496, %add3A_532, %add3A_568, %add3A_604, %add3A_640, %add3A_676, %add3A_712, %add3A_748, %add3A_784, %add3A_820, %add3A_856, %add3A_892, %add3A_928, %add3A_964, %add3A_1000, %add3A_1036, %add3A_1072, %add3A_1108, %add3A_1144 in 1 : vector<256x1xi32>, vector<256x1xi32>, vector<256x1xi32>, vector<256x1xi32>, vector<256x1xi32>, vector<256x1xi32>, vector<256x1xi32>, vector<256x1xi32>, vector<256x1xi32>, vector<256x1xi32>, vector<256x1xi32>, vector<256x1xi32>, vector<256x1xi32>, vector<256x1xi32>, vector<256x1xi32>, vector<256x1xi32>, vector<256x1xi32>, vector<256x1xi32>, vector<256x1xi32>, vector<256x1xi32>, vector<256x1xi32>, vector<256x1xi32>, vector<256x1xi32>, vector<256x1xi32>, vector<256x1xi32>, vector<256x1xi32>, vector<256x1xi32>, vector<256x1xi32>, vector<256x1xi32>, vector<256x1xi32>, vector<256x1xi32>, vector<256x1xi32> -> vector<256x32xi32>
    %swap3A_1152 = arith.constant 0 : index
    %swap3A_1153 = arith.constant 0 : index
    %swap3A_1154 = vector.load %arg6[%swap3A_1152, %swap3A_1153] : memref<256x32xi32, #tpu.memory_space<vmem>>, vector<256x32xi32>
    tpu.vector_store %arg6[%swap3A_1152, %swap3A_1153], %concatenate3A_1151 {strides = array<i32>} : memref<256x32xi32, #tpu.memory_space<vmem>>, vector<256x32xi32>,
    return
  }
  func.func @transform_0(%arg0: i32) -> (i32, i32) {
    %c0_i32 = arith.constant 0 : i32
    %c0_i32_0 = arith.constant 0 : i32
    return %arg0, %c0_i32 : i32, i32
  }
  func.func @transform_1(%arg0: i32) -> (i32, i32, i32) {
    %c0_i32 = arith.constant 0 : i32
    %c0_i32_0 = arith.constant 0 : i32
    %c0_i32_1 = arith.constant 0 : i32
    %c0_i32_2 = arith.constant 0 : i32
    return %c0_i32, %c0_i32_0, %c0_i32_1 : i32, i32, i32
  }
  func.func @transform_2(%arg0: i32) -> (i32, i32, i32) {
    %c0_i32 = arith.constant 0 : i32
    %c0_i32_0 = arith.constant 0 : i32
    %c0_i32_1 = arith.constant 0 : i32
    %c0_i32_2 = arith.constant 0 : i32
    return %c0_i32, %c0_i32_0, %c0_i32_1 : i32, i32, i32
  }
  func.func @transform_3(%arg0: i32) -> (i32, i32) {
    %c0_i32 = arith.constant 0 : i32
    %c0_i32_0 = arith.constant 0 : i32
    return %arg0, %c0_i32 : i32, i32
  }
  func.func @transform_4(%arg0: i32) -> (i32, i32) {
    %c0_i32 = arith.constant 0 : i32
    %c0_i32_0 = arith.constant 0 : i32
    return %arg0, %c0_i32 : i32, i32
  }
  func.func @transform_5(%arg0: i32) -> (i32, i32) {
    %c0_i32 = arith.constant 0 : i32
    %c0_i32_0 = arith.constant 0 : i32
    return %arg0, %c0_i32 : i32, i32
  }
}

module attributes {stable_mosaic.version = 14 : i64} {
  func.func @_matmul_body(%arg0: i32, %arg1: memref<256x2048xf32, #tpu.memory_space<vmem>>, %arg2: memref<2048x2048xf32, #tpu.memory_space<vmem>>, %arg3: memref<256x2048xf32, #tpu.memory_space<vmem>>) attributes {dimension_semantics = [#tpu.dimension_semantics<arbitrary>], iteration_bounds = array<i64: 16>, scalar_prefetch = 0 : i64, scratch_operands = 0 : i64, tpu.core_type = #tpu.core_type<tc>, window_params = [{transform_indices = @transform_0, window_bounds = array<i64: 256, 2048>}, {pipeline_mode = #tpu.pipeline_mode<synchronous>, transform_indices = @transform_1, window_bounds = array<i64: 2048, 2048>}, {transform_indices = @transform_2, window_bounds = array<i64: 256, 2048>}]} {
    %get3A = arith.constant 0 : index
    %get3A_0 = arith.constant 0 : index
    %get3A_1 = vector.load %arg1[%get3A, %get3A_0] : memref<256x2048xf32, #tpu.memory_space<vmem>>, vector<256x2048xf32>
    %get3A_2 = arith.constant 0 : index
    %get3A_3 = arith.constant 0 : index
    %get3A_4 = vector.load %arg2[%get3A_2, %get3A_3] : memref<2048x2048xf32, #tpu.memory_space<vmem>>, vector<2048x2048xf32>
    %dot_general3A = arith.constant dense<0.000000e+00> : vector<256x2048xf32>
    %dot_general3A_5 = tpu.matmul %get3A_1, %get3A_4, %dot_general3A {dimension_numbers = #tpu.dot_dimension_numbers<[1], [0], [0], [1], [0, 0, 1, 1], [], []>, transpose_lhs_hint = false} : vector<256x2048xf32>, vector<2048x2048xf32>, vector<256x2048xf32> -> vector<256x2048xf32>
    %swap3A = arith.constant 0 : index
    %swap3A_6 = arith.constant 0 : index
    %swap3A_7 = vector.load %arg3[%swap3A, %swap3A_6] : memref<256x2048xf32, #tpu.memory_space<vmem>>, vector<256x2048xf32>
    tpu.vector_store %arg3[%swap3A, %swap3A_6], %dot_general3A_5 {strides = array<i32>} : memref<256x2048xf32, #tpu.memory_space<vmem>>, vector<256x2048xf32>,
    return
  }
  func.func @transform_0(%arg0: i32) -> (i32, i32) {
    %c0_i32 = arith.constant 0 : i32
    %c0_i32_0 = arith.constant 0 : i32
    return %arg0, %c0_i32 : i32, i32
  }
  func.func @transform_1(%arg0: i32) -> (i32, i32) {
    %c0_i32 = arith.constant 0 : i32
    %c0_i32_0 = arith.constant 0 : i32
    %c0_i32_1 = arith.constant 0 : i32
    return %c0_i32, %c0_i32_0 : i32, i32
  }
  func.func @transform_2(%arg0: i32) -> (i32, i32) {
    %c0_i32 = arith.constant 0 : i32
    %c0_i32_0 = arith.constant 0 : i32
    return %arg0, %c0_i32 : i32, i32
  }
}

</mosaic_0001>

<sc_bundles>
// kernel: kernel.5.cloned.1.call-start
scs
__scs_entry_jumppad:
0x0: {  	(pc) =	sbr.rel $0x88, $3  }
0x1: {  	(tag) =	ssettag $0x0;
	lr =	simm.s32 $0x1  }
0x2: {  	[smem:$0x3F9E] =	sst lr;
	_ =	strace $0xD0000000  }
0x3: {  	_ = 	snop  }
0x4: {  	_ = 	snop  }
0x5: {  	_ = 	snop  }
0x6: {  	_ = 	snop  }
0x7: {  	_ = 	snop  }
__scs_overlays_trampoline_lowered:
0x8: {  	[smem:$0x3FAD] =	sst s0  }
0x9: {  	[smem:$0x3FAE] =	sst s1  }
0xa: {  	[smem:$0x3FAF] =	sst s2  }
0xb: {  	[smem:$0x3FB0] =	sst s3  }
0xc: {  	[smem:$0x3FB1] =	sst s4  }
0xd: {  	[smem:$0x3FB2] =	sst s5  }
0xe: {  	[smem:$0x3FB3] =	sst s6  }
0xf: {  	[smem:$0x3FB4] =	sst s7  }
0x10: {  	[smem:$0x3FB5] =	sst s8  }
0x11: {  	[smem:$0x3FB6] =	sst s9;
	s0 =	simm.s32 @!p0 $0x0  }
0x12: {  	s1 =	sld [smem:$0x3F9C];
	s0 =	simm.s32 @p0 $0x1  }
0x13: {  	[smem:$0x3FB7] =	sst s0;
	s0 =	simm.s32 @!p1 $0x0  }
0x14: {  	s2 =	sld [smem:$0x3F9B];
	s0 =	simm.s32 @p1 $0x1  }
0x15: {  	[smem:$0x3FB8] =	sst s0;
	s0 =	simm.s32 @!p2 $0x0  }
0x16: {  	s3 =	sld [smem:$0x3FDB];
	s0 =	simm.s32 @p2 $0x1  }
0x17: {  	s4 =	simm.s32 $0x1BF5;
	[smem:$0x3FBA] =	sst s0  }
0x18: {  	s0 =	sld [smem:$0x3F9D];
	_ =	swait.ge [sflag:s4], $0x0  }
0x19: {  	s7 =	sld [smem:$0x3F9E]  }
0x1a: {  	s8 =	sadd.s32 $0xFFFFE003, lr  }
0x1b: {  	s9 =	sadd.s32 $0xFFFFFEF7, lr;
	s5 =	simm.s32 $0xFFFFFFFF;
	p2 =	slt.u32 s8, $0xFFFFF086  }
0x1c: {  	p1 =	slt.u32 s9, $0xF7A;
	s5 =	simm.s32 @!p2 $0x0  }
0x1d: {  	s5 =	simm.s32 @p1 $0x1;
	p0 =	seq.s32 s7, s2  }
0x1e: {  	s7 =	smul.u32 @!p0 $0xF7A, s2;
	p2 =	seq.s32 @!p0 s5, $0x0  }
0x1f: {  	s9 =	smul.u32 $0xF7A, s1;
	s8 =	simm.s32 @!p0 $0x1BF5;
	p2 =	por !p2, p0  }
0x20: {  	[sflag:s8] =	ssyncset.s32 @!p0 $0xFFFFF086;
	s6 =	sadd.s32 @!p0 s3, s7;
	s7 =	simm.s32 @!p0 $0x108  }
0x21: {  	s3 =	sadd.s32 s3, s9;
	s6 =	sadd.s32 @!p0 $0x88, s6;
	s7 =	simm.s32 @p2 $0x1082  }
0x22: {  	[simem:s7], [sflag:s8] =	dma.local @!p0 [hbm:s6], $0xF7A  }
0x23: {  	s9 =	sor.u32 $0xD0000000, s2;
	s6 =	simm.s32 $0x108;
	_ =	swait.ge @!p0 [sflag:s8], $0x0  }
0x24: {  	s3 =	sadd.s32 $0x88, s3;
	s6 =	simm.s32 @!p1 $0x1082;
	[sflag:s4] =	ssyncset.s32 $0xFFFFF086  }
0x25: {  	[simem:s6], [sflag:s4] =	dma.local [hbm:s3], $0xF7A  }
0x26: {  	[smem:$0x3F9E] =	sst s1;
	(tag) =	ssettag s2;
	_ =	strace s9  }
0x27: {  	s1 =	sld [smem:$0x3FAE]  }
0x28: {  	s2 =	sld [smem:$0x3FAF]  }
0x29: {  	s4 =	sld [smem:$0x3FB1]  }
0x2a: {  	p0 =	seq.s32 s5, $0x0;
	s5 =	sld [smem:$0x3FB2]  }
0x2b: {  	s6 =	sld [smem:$0x3FB3]  }
0x2c: {  	s7 =	sld [smem:$0x3FB4]  }
0x2d: {  	s3 =	simm.s32 $0x108;
	s8 =	sld [smem:$0x3FB5]  }
0x2e: {  	s3 =	simm.s32 @!p0 $0x1082;
	s9 =	sld [smem:$0x3FB6]  }
0x2f: {  	lr =	sadd.s32 s0, s3;
	s0 =	sld [smem:$0x3FAD]  }
0x30: {  	s3 =	sld [smem:$0x3FB0]  }
0x31: {  	[smem:$0x3FB9] =	sst s10  }
0x32: {  	s10 =	sld [smem:$0x3FB7];
	_ =	sdelay $0x3  }
0x33: {  	p0 =	seq.s32 s10, $0x1;
	s10 =	sld [smem:$0x3FB9];
	_ =	sdelay $0x3  }
0x34: {  	[smem:$0x3FB9] =	sst s10  }
0x35: {  	s10 =	sld [smem:$0x3FB8];
	_ =	sdelay $0x3  }
0x36: {  	p1 =	seq.s32 s10, $0x1;
	s10 =	sld [smem:$0x3FB9];
	_ =	sdelay $0x3  }
0x37: {  	[smem:$0x3FB9] =	sst s10  }
0x38: {  	s10 =	sld [smem:$0x3FBA]  }
0x39: {  	_ = 	snop;
	(pc) =	sbr.ind lr, $3  }
0x3a: {  	_ = 	snop  }
0x3b: {  	_ = 	snop  }
0x3c: {  	p2 =	seq.s32 s10, $0x1;
	s10 =	sld [smem:$0x3FB9]  }
0x3d: {  	_ =	shalt  }
0x3e: {  	_ =	shalt  }
0x3f: {  	_ =	shalt  }
0x40: {  	_ =	shalt  }
0x41: {  	_ =	shalt  }
0x42: {  	_ =	shalt  }
0x43: {  	_ =	shalt  }
0x44: {  	_ =	shalt  }
0x45: {  	_ =	shalt  }
0x46: {  	_ =	shalt  }
0x47: {  	_ =	shalt  }
0x48: {  	_ =	shalt  }
0x49: {  	_ =	shalt  }
0x4a: {  	_ =	shalt  }
0x4b: {  	_ =	shalt  }
0x4c: {  	_ =	shalt  }
0x4d: {  	_ =	shalt  }
0x4e: {  	_ =	shalt  }
0x4f: {  	_ =	shalt  }
0x50: {  	_ =	shalt  }
0x51: {  	_ =	shalt  }
0x52: {  	_ =	shalt  }
0x53: {  	_ =	shalt  }
0x54: {  	_ =	shalt  }
0x55: {  	_ =	shalt  }
0x56: {  	_ =	shalt  }
0x57: {  	_ =	shalt  }
0x58: {  	_ =	shalt  }
0x59: {  	_ =	shalt  }
0x5a: {  	_ =	shalt  }
0x5b: {  	_ =	shalt  }
0x5c: {  	_ =	shalt  }
0x5d: {  	_ =	shalt  }
0x5e: {  	_ =	shalt  }
0x5f: {  	_ =	shalt  }
0x60: {  	_ =	shalt  }
0x61: {  	_ =	shalt  }
0x62: {  	_ =	shalt  }
0x63: {  	_ =	shalt  }
0x64: {  	_ =	shalt  }
0x65: {  	_ =	shalt  }
0x66: {  	_ =	shalt  }
0x67: {  	_ =	shalt  }
0x68: {  	_ =	shalt  }
0x69: {  	_ =	shalt  }
0x6a: {  	_ =	shalt  }
0x6b: {  	_ =	shalt  }
0x6c: {  	_ =	shalt  }
0x6d: {  	_ =	shalt  }
0x6e: {  	_ =	shalt  }
0x6f: {  	_ =	shalt  }
0x70: {  	_ =	shalt  }
0x71: {  	_ =	shalt  }
0x72: {  	_ =	shalt  }
0x73: {  	_ =	shalt  }
0x74: {  	_ =	shalt  }
0x75: {  	_ =	shalt  }
0x76: {  	_ =	shalt  }
0x77: {  	_ =	shalt  }
0x78: {  	_ =	shalt  }
0x79: {  	_ =	shalt  }
0x7a: {  	_ =	shalt  }
0x7b: {  	_ =	shalt  }
0x7c: {  	_ =	shalt  }
0x7d: {  	_ =	shalt  }
0x7e: {  	_ =	shalt  }
0x7f: {  	_ =	shalt  }
0x80: {  	_ =	shalt  }
0x81: {  	_ =	shalt  }
0x82: {  	_ =	shalt  }
0x83: {  	_ =	shalt  }
0x84: {  	_ =	shalt  }
0x85: {  	_ =	shalt  }
0x86: {  	_ =	shalt  }
0x87: {  	_ =	shalt  }
.Lfunc_end0:
.L_simem_size_0:
called_computation_lowered:
.L_overlay_start_0:
0x88: {  	s2 =	sld [smem:$0x3FD9]  }
0x89: {  	s3 =	sld [smem:$0x3FFE];
	_ =	sdelay $0x1  }
0x8a: {  	s1 =	srdreg.scid  }
0x8b: {  	s0 =	sand.u32 $0x1, s1  }
0x8c: {  	s14 =	sshll.u32 s0, $0xA;
	s2 =	sadd.s32 s3, s2  }
0x8d: {  	s2 =	sadd.s32 s2, s14  }
0x8e: {  	[smem:$0x3FC5] =	sst s2  }
0x8f: {  	_ = 	snop  }
0x90: {  	s2 =	sld [smem:$0x3FD0];
	_ =	sdelay $0x2  }
0x91: {  	s15 =	simm.s32 $0xA;
	s4 =	simm.s32 $0x10  }
0x92: {  	[smem:s4], [sflag:s15] =	dma.local [hbm:s2], $0x1  }
0x93: {  	_ =	swait.eq [sflag:s15], $0x1  }
0x94: {  	[sflag:s15] =	ssyncset.done $0x0  }
0x95: {  	[sflag:s15] =	ssyncadd.s32 $0xFFFFFFFF  }
0x96: {  	s16 =	sld [smem:$0x10];
	(tm) =	ssettm $0x1  }
0x97: {  	s17 =	sld [smem:$0x3FFB];
	_ =	sdelay $0x3  }
0x98: {  	_ =	strace s17  }
0x99: {  	s3 =	sld [smem:$0x3FFC];
	_ =	sdelay $0x3  }
0x9a: {  	_ =	strace s3  }
0x9b: {  	s3 =	sld [smem:$0x3FFD];
	_ =	sdelay $0x3  }
0x9c: {  	_ =	strace s3  }
0x9d: {  	_ =	strace $0x8FFFFFFF  }
0x9e: {  	s18 =	sld [smem:$0x3FDB];
	_ =	sdelay $0x1  }
0x9f: {  	s19 =	simm.s32 $_scs_section_size  }
0xa0: {  	s5 =	simm.s32 $_size__tile_overlayer_lowered;
	s6 =	simm.s32 $_tile_overlayer_lowered  }
0xa1: {  	s22 =	simm.s32 $0x1BFF;
	s21 =	sshll.u32 s6, $0x1;
	s3 =	sadd.s32 s19, s18  }
0xa2: {  	s7 =	simm.s32 $0x0;
	s20 =	sshll.u32 s5, $0x1;
	s5 =	sadd.s32 s21, s3  }
0xa3: {  	[timem:s7], [sflag:s22] =	dma.local [hbm:s5], s20  }
0xa4: {  	_ =	swait.ge [sflag:s22], s20  }
0xa5: {  	s4 =	ssub.s32 $0x0, s20;
	[sflag:s22] =	ssyncset.done $0x0  }
0xa6: {  	[sflag:s22] =	ssyncadd.s32 s4;
	_ =	sdelay $0x1  }
0xa7: {  	s23 =	simm.s32 $0x1B8B  }
0xa8: {  	_ =	swait.ge [sflag:s23], $0x1  }
0xa9: {  	[sflag:s23] =	ssyncset.done $0x0  }
0xaa: {  	s25 =	simm.s32 $0x1B8E;
	s24 =	sld [smem:$0x3FFE];
	[sflag:s23] =	ssyncadd.s32 $0xFFFFFFFF  }
0xab: {  	s26 =	simm.s32 $execute0_lowered;
	[smem:$0x3FD2] =	sst s25  }
0xac: {  	s5 =	sshll.u32 s26, $0x1;
	_ =	strace $0x80000046;
	[dreg:$0x1] =	wrdreg $0xFFFFFFFF  }
0xad: {  	s28 =	simm.s32 $_size_execute0_lowered;
	s3 =	sadd.s32 s3, s5;
	[dreg:$0x0] =	wrdreg $0x0  }
0xae: {  	s5 =	sshll.u32 s28, $0x1;
	[dreg:$0x2] =	wrdreg s3  }
0xaf: {  	[dreg:$0x3] =	wrdreg s5  }
0xb0: {  	[dreg:$0x4] =	wrdreg $0xC0  }
0xb1: {  	_ =	task [dreg:s7], $0x5FFFF  }
0xb2: {  	[dreg:$0x1] =	wrdreg $0xFFFFFFFF  }
0xb3: {  	[dreg:$0x0] =	wrdreg $0x60  }
0xb4: {  	[dreg:$0x2] =	wrdreg s24  }
0xb5: {  	[dreg:$0x3] =	wrdreg s16  }
0xb6: {  	[dreg:$0x4] =	wrdreg $0x9  }
0xb7: {  	_ =	task.clear_ibuf [dreg:s7], $0x5FFFF;
	_ =	strace $0x90000046  }
0xb8: {  	s29 =	simm.s32 $0x9;
	_ =	strace $0x80000048  }
0xb9: {  	_ =	swait.ge [sflag:s29], $0x1  }
0xba: {  	[sflag:s29] =	ssyncadd.s32 $0xFFFFFFFF  }
0xbb: {  	_ =	strace $0x90000048  }
0xbc: {  	_ =	sfence  }
0xbd: {  	s30 =	sld [smem:$0x0];
	_ =	sdelay $0x2  }
0xbe: {  	s31 =	sshll.u32 s1, $0xD;
	s1 =	sshrl.u32 s1, $0x2  }
0xbf: {  	s3 =	sand.u32 $0x4000, s31;
	s1 =	sadd.s32 s1, s30  }
0xc0: {  	s0 =	sor.u32 s3, s0;
	s1 =	sshll.u32 s1, $0x11  }
0xc1: {  	s0 =	sor.u32 s1, s0  }
0xc2: {  	s0 =	sadd.s32 $0x8F2B, s0  }
0xc3: {  	[sflag:s0] =	ssyncadd.remote.s32 $0x1  }
0xc4: {  	_ =	sfence.sel $0xFFFF  }
0xc5: {  	[dreg:$0x0] =	wrdreg $0xFFFFFFFF;
	(pc) =	sbr.abs _section_cstart, $3  }
0xc6: {  	[dreg:$0x1] =	wrdreg $0xFFFFFFFF  }
0xc7: {  	_ =	task.clear_ibuf [dreg:s7], $0x2FFFF;
	_ =	strace $0x9FFFFFFF  }
0xc8: {  	(tm) =	ssettm $0x7FFFFFFF  }
0xc9: {  	_ =	shalt  }
tec
execute0_lowered:
.L_overlay_start_1:
0x0: {  	(tag) =	ssettag $0x1  }
0x1: {  	s4 =	rddreg [dreg:$0x0]  }
0x2: {  	s5 =	rddreg [dreg:$0x1]  }
0x3: {  	s0 =	rddreg [dreg:$0x2];
	s3 =	srdreg.scid  }
0x4: {  	s2 =	simm.s32 $0x0;
	s1 =	stileid.u32;
	s10 =	simm.s32 $0x3000  }
0x5: {  	s11 =	simm.s32 $0x1;
	s12 =	simm.s32 $0x2;
	s13 =	simm.s32 $0x0  }
0x6: {  	s6 =	sand.u32 $0x1, s3;
	[smem:$0x7FF] =	sst s2;
	s29 =	sshll.u32 s1, $0xD  }
0x7: {  	s3 =	sadd.s32 $0x1800, s4;
	s31 =	sshll.u32 s1, $0x10;
	s7 =	sshll.u32 s6, $0xC  }
0x8: {  	_ =	strace $0x80000047;
	s8 =	ssub.s32 $0x2, s6;
	s7 =	sor.u32 s7, s29  }
0x9: {  	s6 =	sshll.u32 s6, $0xF;
	s9 =	sshrl.u32 s8, $0x1;
	s7 =	sshrl.u32 s7, $0x3  }
0xa: {  	s30 =	ssub.s32 s8, s9;
	s8 =	sadd.s32 s31, s5;
	s9 =	simm.s32 $0x1000  }
0xb: {  	s4 =	sadd.s32 s7, s4;
	s5 =	smax.u32 s30, $0x1;
	s6 =	sadd.s32 s6, s8  }
0xc: {  	s7 =	simm.s32 $0x3;
	s8 =	simm.s32 $0x80;
	s4 =	sadd.s32 $0x21800, s4  }
.LBB2_1:
0xd: {  	[tilespmem:s2], [sflag:$0x3] =	stream.linear.gather [hbm4b:s4+s2], $0x1000, $0x38;
	[tilespmem:$0x5000] =	vst v63  }
0xe: {  	_ =	swait.ge [sflag:s7], $0x1000  }
0xf: {  	[sflag:s7] =	ssyncset.done $0x0  }
0x10: {  	s14 =	simm.s32 $0x0;
	[sflag:s7] =	ssyncadd.s32 $0xFFFFF000  }
0x11: {  	[tilespmem:s9], [sflag:$0x1] =	stream.indirect.gather [hbm4b:s3+s8], $0x40, s14, s8, $0xb8;
	[tilespmem:$0x5000] =	vst v63  }
0x12: {  	s30 =	simm.s32 $0x80  }
0x13: {  	[tilespmem:s10], [sflag:$0x2] =	stream.indirect.gather [hbm4b:s3+s8], $0x40, s30, s8, $0xb8;
	[tilespmem:$0x5000] =	vst v63  }
0x14: {  	_ =	swait.ge [sflag:s11], $0x2000  }
0x15: {  	[sflag:s11] =	ssyncset.done $0x0  }
0x16: {  	[sflag:s11] =	ssyncadd.s32 $0xFFFFE000  }
0x17: {  	[hbm4b:s6+s2] =	stream.linear.scatter [tilespmem:s9], [sflag:$0x3], $0x2000, $0x38;
	[tilespmem:$0x5000] =	vst v63  }
0x18: {  	_ =	swait.ge [sflag:s7], $0x2000  }
0x19: {  	[sflag:s7] =	ssyncset.done $0x0  }
0x1a: {  	[sflag:s7] =	ssyncadd.s32 $0xFFFFE000  }
0x1b: {  	_ =	swait.ge [sflag:s12], $0x2000  }
0x1c: {  	[sflag:s12] =	ssyncset.done $0x0  }
0x1d: {  	s31 =	sadd.s32 $0x400, s6;
	[sflag:s12] =	ssyncadd.s32 $0xFFFFE000  }
0x1e: {  	[hbm4b:s31+s2] =	stream.linear.scatter [tilespmem:s10], [sflag:$0x3], $0x2000, $0x38;
	[tilespmem:$0x5000] =	vst v63  }
0x1f: {  	s15 =	simm.s32 $0x400;
	_ =	swait.ge [sflag:s7], $0x2000  }
0x20: {  	s16 =	simm.s32 $0x800;
	s14 =	sadd.s32 $0x800, s6;
	[sflag:s7] =	ssyncset.done $0x0  }
.LBB2_2:
0x21: {  	s17 =	sshra.s32 s15, $0x2  }
0x22: {  	[sflag:s7] =	ssyncadd.s32 $0xFFFFE000;
	s15 =	smov.u32 s16;
	s18 =	sadd.s32 $0x400, s16  }
0x23: {  	[tilespmem:s9], [sflag:$0x1] =	stream.indirect.gather [hbm4b:s3+s8], $0x40, s17, s8, $0xb8;
	[tilespmem:$0x5000] =	vst v63  }
0x24: {  	p0 =	sne.s32 s16, $0x3C00;
	s16 =	sadd.s32 $0x80, s17  }
0x25: {  	[tilespmem:s10], [sflag:$0x2] =	stream.indirect.gather [hbm4b:s3+s8], $0x40, s16, s8, $0xb8;
	[tilespmem:$0x5000] =	vst v63  }
0x26: {  	_ =	swait.ge [sflag:s11], $0x2000  }
0x27: {  	[sflag:s11] =	ssyncset.done $0x0  }
0x28: {  	[sflag:s11] =	ssyncadd.s32 $0xFFFFE000  }
0x29: {  	[hbm4b:s14+s2] =	stream.linear.scatter [tilespmem:s9], [sflag:$0x3], $0x2000, $0x38;
	[tilespmem:$0x5000] =	vst v63  }
0x2a: {  	_ =	swait.ge [sflag:s7], $0x2000  }
0x2b: {  	[sflag:s7] =	ssyncset.done $0x0  }
0x2c: {  	[sflag:s7] =	ssyncadd.s32 $0xFFFFE000  }
0x2d: {  	_ =	swait.ge [sflag:s12], $0x2000  }
.Ltmp0:
0x2e: {  	[sflag:s12] =	ssyncset.done $0x0;
	(pc) =	sbr.rel @p0 .LBB2_2-.Ltmp0, $4  }
0x2f: {  	s16 =	sadd.s32 $0x400, s14;
	[sflag:s12] =	ssyncadd.s32 $0xFFFFE000  }
0x30: {  	[hbm4b:s16+s2] =	stream.linear.scatter [tilespmem:s10], [sflag:$0x3], $0x2000, $0x38;
	[tilespmem:$0x5000] =	vst v63  }
0x31: {  	_ =	swait.ge [sflag:s7], $0x2000  }
0x32: {  	s14 =	sadd.s32 $0x800, s14;
	s16 =	smov.u32 s18;
	[sflag:s7] =	ssyncset.done $0x0  }
0x33: {  	s15 =	sshra.s32 s15, $0x2;
	[sflag:s7] =	ssyncadd.s32 $0xFFFFE000  }
0x34: {  	[tilespmem:s9], [sflag:$0x1] =	stream.indirect.gather [hbm4b:s3+s8], $0x40, s15, s8, $0xb8;
	[tilespmem:$0x5000] =	vst v63  }
0x35: {  	s15 =	sadd.s32 $0x80, s15  }
0x36: {  	[tilespmem:s10], [sflag:$0x2] =	stream.indirect.gather [hbm4b:s3+s8], $0x40, s15, s8, $0xb8;
	[tilespmem:$0x5000] =	vst v63  }
0x37: {  	_ =	swait.ge [sflag:s11], $0x2000  }
0x38: {  	[sflag:s11] =	ssyncset.done $0x0  }
0x39: {  	[sflag:s11] =	ssyncadd.s32 $0xFFFFE000  }
0x3a: {  	[hbm4b:s14+s2] =	stream.linear.scatter [tilespmem:s9], [sflag:$0x3], $0x2000, $0x38;
	[tilespmem:$0x5000] =	vst v63  }
0x3b: {  	_ =	swait.ge [sflag:s7], $0x2000  }
0x3c: {  	[sflag:s7] =	ssyncset.done $0x0  }
0x3d: {  	[sflag:s7] =	ssyncadd.s32 $0xFFFFE000  }
0x3e: {  	s13 =	sadd.s32 $0x1, s13;
	_ =	swait.ge [sflag:s12], $0x2000  }
0x3f: {  	p0 =	sne.s32 s13, s5;
	[sflag:s12] =	ssyncset.done $0x0  }
.Ltmp1:
0x40: {  	s31 =	sadd.s32 $0x400, s14;
	[sflag:s12] =	ssyncadd.s32 $0xFFFFE000;
	(pc) =	sbr.rel @p0 .LBB2_1-.Ltmp1, $4  }
0x41: {  	[hbm4b:s31+s2] =	stream.linear.scatter [tilespmem:s10], [sflag:$0x3], $0x2000, $0x38;
	[tilespmem:$0x5000] =	vst v63  }
0x42: {  	_ =	swait.ge [sflag:s7], $0x2000  }
0x43: {  	[sflag:s7] =	ssyncset.done $0x0  }
0x44: {  	[sflag:s7] =	ssyncadd.s32 $0xFFFFE000  }
0x45: {  	_ =	sfence.sel $0x180000  }
0x46: {  	[bflag:$0x0] =	sbarrier.arrive $0xFFFF  }
0x47: {  	p0 =	sne.s32 s1, $0x0;
	_ =	strace $0x90000047  }
0x48: {  	s0 =	sadd.s32 @!p0 $0x100000, s0;
	[bflag:$0x2] =	sbarrier.arrive $0xFFFF  }
0x49: {  	[sflag:s0] =	ssyncadd.tile.s32 @!p0 $0x1;
	_ =	shalt  }
.Lfunc_end2:
_tile_overlayer_lowered:
.L_overlay_start_2:
0x4a: {  	(tag) =	ssettag $0x2  }
0x4b: {  	s0 =	rddreg [dreg:$0x0];
	s2 =	stileid.u32  }
0x4c: {  	s1 =	rddreg [dreg:$0x1];
	p0 =	sne.s32 s2, $0x0  }
0x4d: {  	s3 =	rddreg [dreg:$0x2];
	[bflag:$0x3] =	sbarrier.arrive $0xFFFF;
	s2 =	simm.s32 @!p0 $0x1C03  }
0x4e: {  	[timem:s3], [sflag:s2] =	dma.local @!p0 [hbm:s0], s1  }
0x4f: {  	s0 =	simm.s32 @!p0 $0x3  }
0x50: {  	_ =	swait.ge @!p0 [sflag:s0], s1  }
0x51: {  	s1 =	ssub.s32 @!p0 $0x0, s1;
	[sflag:s0] =	ssyncset.done @!p0 $0x0  }
0x52: {  	[sflag:s0] =	ssyncadd.s32 @!p0 s1  }
0x53: {  	[bflag:$0x3] =	sbarrier.arrive $0xFFFF  }
0x54: {  	_ =	shalt  }

</sc_bundles>
